<compile_context>
chip_gen: v7x
topology: tpu7x:2x2x1
jax: 0.10.2.dev20260603
libtpu: 0.0.44.dev20260713+nightly
codegen_flags: <defaults>
</compile_context>

<pallas_src>
import functools

import jax
import jax.numpy as jnp
from jax import lax
from jax.experimental import pallas as pl
from jax.experimental.pallas import tpu as pltpu
from jax.experimental.pallas import tpu_sc as plsc

B = 16384
F = 26
V = 100000
D = 32
ND = 13
OUT = 128
HID = F * D

NC = 2
NS = 16
NW = NC * NS
UPW = HID // NW
BH = B // 2
VH0 = 49920
VH1 = V - VH0


def _sc_gather_t(tbl_fd, idx_t):
    mesh = plsc.VectorSubcoreMesh(core_axis_name="c", subcore_axis_name="s",
                                  num_cores=NC, num_subcores=NS)

    @functools.partial(
        pl.kernel,
        out_type=jax.ShapeDtypeStruct((HID, B), jnp.float32),
        mesh=mesh,
        scratch_types=[
            pltpu.VMEM((VH0,), jnp.float32),
            pltpu.VMEM((VH1,), jnp.float32),
            pltpu.VMEM((B,), jnp.int32),
            pltpu.VMEM((BH,), jnp.float32),
            pltpu.SemaphoreType.DMA,
            pltpu.SemaphoreType.DMA,
        ],
        compiler_params=pltpu.CompilerParams(needs_layout_passes=False),
    )
    def gather_kernel(tbl_hbm, idx_hbm, out_hbm, stage_a, stage_b, idx_v,
                      out_v, sem_a, sem_b):
        wid = lax.axis_index("s") * NC + lax.axis_index("c")
        u0 = wid * UPW

        def _pass(stage, h, bh, first):
            lo = 0 if h == 0 else VH0

            @plsc.parallel_loop(0, BH // 16, 1, unroll=16)
            def body(i):
                vi = idx_v[pl.ds(bh * BH + i * 16, 16)]
                if h == 0:
                    m = vi < VH0
                    vl = vi
                else:
                    m = vi >= VH0
                    vl = vi - lo
                vals = plsc.load_gather(stage, [vl], mask=m)
                vals = jnp.where(m, vals, 0.0)
                if first:
                    out_v[pl.ds(i * 16, 16)] = vals
                else:
                    plsc.addupdate(out_v.at[pl.ds(i * 16, 16)], vals)

        pltpu.async_copy(tbl_hbm.at[u0, pl.ds(0, VH0)], stage_a, sem_a)
        pltpu.async_copy(tbl_hbm.at[u0, pl.ds(VH0, VH1)], stage_b, sem_b)

        def unit(k, _):
            uu = u0 + k

            @pl.when(jnp.logical_or(k == 0, (uu % D) == 0))
            def _():
                pltpu.sync_copy(idx_hbm.at[uu // D], idx_v)

            pltpu.make_async_copy(tbl_hbm.at[uu, pl.ds(0, VH0)],
                                  stage_a, sem_a).wait()
            _pass(stage_a, 0, 0, True)
            pltpu.make_async_copy(tbl_hbm.at[uu, pl.ds(VH0, VH1)],
                                  stage_b, sem_b).wait()
            _pass(stage_b, 1, 0, False)
            pltpu.sync_copy(out_v, out_hbm.at[uu, pl.ds(0, BH)])
            _pass(stage_a, 0, 1, True)

            @pl.when(k < UPW - 1)
            def _():
                pltpu.async_copy(tbl_hbm.at[uu + 1, pl.ds(0, VH0)],
                                 stage_a, sem_a)

            _pass(stage_b, 1, 1, False)
            pltpu.sync_copy(out_v, out_hbm.at[uu, pl.ds(BH, BH)])

            @pl.when(k < UPW - 1)
            def _():
                pltpu.async_copy(tbl_hbm.at[uu + 1, pl.ds(VH0, VH1)],
                                 stage_b, sem_b)

            return 0

        lax.fori_loop(0, UPW, unit, 0)

    return gather_kernel(tbl_fd, idx_t)


def _mlp_body(g_ref, dense_ref, w1_ref, w2_ref, b_ref, out_ref):
    acc = lax.dot_general(g_ref[...], w1_ref[...],
                          (((0,), (0,)), ((), ())),
                          preferred_element_type=jnp.float32)
    acc = acc + jnp.dot(dense_ref[...], w2_ref[...],
                        preferred_element_type=jnp.float32)
    acc = acc + b_ref[...]
    out_ref[...] = jnp.maximum(acc, 0.0)


def _tc_mlp(g, dense_p, w1, w2_p, b2d):
    bs = 2048
    grid = (B // bs,)
    return pl.pallas_call(
        _mlp_body,
        grid=grid,
        in_specs=[
            pl.BlockSpec((HID, bs), lambda i: (0, i)),
            pl.BlockSpec((bs, 16), lambda i: (i, 0)),
            pl.BlockSpec((HID, OUT), lambda i: (0, 0)),
            pl.BlockSpec((16, OUT), lambda i: (0, 0)),
            pl.BlockSpec((1, OUT), lambda i: (0, 0)),
        ],
        out_specs=pl.BlockSpec((bs, OUT), lambda i: (i, 0)),
        out_shape=jax.ShapeDtypeStruct((B, OUT), jnp.float32),
        compiler_params=pltpu.CompilerParams(
            dimension_semantics=("arbitrary",),
        ),
    )(g, dense_p, w1, w2_p, b2d)


def kernel(sparse_indices, dense_features, tables, W, b):
    tbl_fd = jnp.transpose(tables, (0, 2, 1)).reshape(HID, V)
    idx_t = jnp.transpose(sparse_indices, (1, 0))
    g = _sc_gather_t(tbl_fd, idx_t)
    dense_p = jnp.pad(dense_features, ((0, 0), (0, 16 - ND)))
    w1 = W[:HID]
    w2_p = jnp.pad(W[HID:], ((0, 16 - ND), (0, 0)))
    return _tc_mlp(g, dense_p, w1, w2_p, b.reshape(1, OUT))

# --- scband reference (transcript-rebuilt; emitter-appended) ---
"""Pipeline reference for scband-simple-feature-extractor-1391569404552 (READ-ONLY COPY).

The authoritative reference and input builder live on the scoring server;
editing this copy changes nothing except your own understanding.
"""

import jax, jax.numpy as jnp
import numpy as np

B = 16384   # batch
F = 26      # n sparse fields
V = 100000  # vocab per field
D = 32      # embedding_size
ND = 13     # n dense fields
OUT = 128   # output_dim
HIDDEN = F * D + ND


def setup_inputs(seed: int = 0) -> dict:
    key = jax.random.key(seed)
    ks = jax.random.split(key, 5)
    sparse_indices = jax.random.randint(ks[0], (B, F), 0, V, dtype=jnp.int32)
    dense_features = jax.random.normal(ks[1], (B, ND), dtype=jnp.float32)
    # per-field embedding tables stacked: [F, V, D]
    tables = jax.random.normal(ks[2], (F, V, D), dtype=jnp.float32) * 0.02
    W = jax.random.normal(ks[3], (HIDDEN, OUT), dtype=jnp.float32) * 0.02
    b = jnp.zeros((OUT,), dtype=jnp.float32)
    return {"sparse_indices": sparse_indices, "dense_features": dense_features,
            "tables": tables, "W": W, "b": b}


def reference(sparse_indices, dense_features, tables, W, b):
    # per-field embedding lookup: emb[b, f, :] = tables[f, sparse_indices[b, f], :]
    emb = jax.vmap(lambda tbl, ix: jnp.take(tbl, ix, axis=0), in_axes=(0, 1), out_axes=1)(tables, sparse_indices)  # [B, F, D]
    sparse_concat = emb.reshape(emb.shape[0], -1)  # [B, F*D]
    feat = jnp.concatenate([sparse_concat, dense_features], axis=-1)  # [B, HIDDEN]
    out = jax.nn.relu(feat @ W + b)  # [B, OUT]
    return out

if __name__ == "__main__":
    import jax
    _d = setup_inputs()
    print(jax.jit(kernel)(*tuple(_d.values())))

</pallas_src>

<mosaic_0001>
#map = affine_map<(d0, d1) -> (0, 0)>
module attributes {stable_mosaic.version = 14 : i64} {
  func.func @gather_kernel(%arg0: i32, %arg1: i32, %arg2: memref<832x100000xf32, #tpu.memory_space<hbm>>, %arg3: memref<26x16384xi32, #tpu.memory_space<hbm>>, %arg4: memref<832x16384xf32, #tpu.memory_space<hbm>>, %arg5: memref<49920xf32, #tpu.memory_space<vmem>>, %arg6: memref<50080xf32, #tpu.memory_space<vmem>>, %arg7: memref<16384xi32, #tpu.memory_space<vmem>>, %arg8: memref<8192xf32, #tpu.memory_space<vmem>>, %arg9: memref<!tpu.dma_semaphore, #tpu.memory_space<semaphore_mem>>, %arg10: memref<!tpu.dma_semaphore, #tpu.memory_space<semaphore_mem>>) attributes {dimension_semantics = [#tpu.dimension_semantics<core_parallel>, #tpu.dimension_semantics<subcore_parallel>], iteration_bounds = array<i64: 2, 16>, scalar_prefetch = 0 : i64, scratch_operands = 6 : i64, tpu.core_type = #tpu.core_type<sc_vector_subcore>, window_params = [{transform_indices = #map}, {transform_indices = #map}, {transform_indices = #map}]} {
    %mul3A = arith.constant 2 : i32
    %mul3A_0 = arith.muli %arg1, %mul3A : i32
    %add3A = arith.addi %mul3A_0, %arg0 : i32
    %mul3A_1 = arith.constant 26 : i32
    %mul3A_2 = arith.muli %add3A, %mul3A_1 : i32
    %dma_start3A = arith.constant 0 : i32
    %dma_start3A_3 = tpu.memref_slice %arg2[%mul3A_2, %dma_start3A] : memref<832x100000xf32, #tpu.memory_space<hbm>> -> memref<1x49920xf32, #tpu.memory_space<hbm>>
    %dma_start3A_4 = tpu.memref_squeeze %dma_start3A_3 : memref<1x49920xf32, #tpu.memory_space<hbm>> -> memref<49920xf32, #tpu.memory_space<hbm>>
    %dma_start3A_5 = arith.constant 0 : i32
    %dma_start3A_6 = tpu.memref_slice %arg2[%mul3A_2, %dma_start3A_5] : memref<832x100000xf32, #tpu.memory_space<hbm>> -> memref<1x49920xf32, #tpu.memory_space<hbm>>
    %dma_start3A_7 = tpu.memref_squeeze %dma_start3A_6 : memref<1x49920xf32, #tpu.memory_space<hbm>> -> memref<49920xf32, #tpu.memory_space<hbm>>
    tpu.enqueue_dma source(%dma_start3A_7 : memref<49920xf32, #tpu.memory_space<hbm>>) target(%arg5 : memref<49920xf32, #tpu.memory_space<vmem>>) target_semaphore(%arg9 : memref<!tpu.dma_semaphore, #tpu.memory_space<semaphore_mem>>)
    %dma_start3A_8 = arith.constant 49920 : i32
    %dma_start3A_9 = tpu.memref_slice %arg2[%mul3A_2, %dma_start3A_8] : memref<832x100000xf32, #tpu.memory_space<hbm>> -> memref<1x50080xf32, #tpu.memory_space<hbm>>
    %dma_start3A_10 = tpu.memref_squeeze %dma_start3A_9 : memref<1x50080xf32, #tpu.memory_space<hbm>> -> memref<50080xf32, #tpu.memory_space<hbm>>
    %dma_start3A_11 = arith.constant 49920 : i32
    %dma_start3A_12 = tpu.memref_slice %arg2[%mul3A_2, %dma_start3A_11] : memref<832x100000xf32, #tpu.memory_space<hbm>> -> memref<1x50080xf32, #tpu.memory_space<hbm>>
    %dma_start3A_13 = tpu.memref_squeeze %dma_start3A_12 : memref<1x50080xf32, #tpu.memory_space<hbm>> -> memref<50080xf32, #tpu.memory_space<hbm>>
    tpu.enqueue_dma source(%dma_start3A_13 : memref<50080xf32, #tpu.memory_space<hbm>>) target(%arg6 : memref<50080xf32, #tpu.memory_space<vmem>>) target_semaphore(%arg10 : memref<!tpu.dma_semaphore, #tpu.memory_space<semaphore_mem>>)
    %scan3A = arith.constant 0 : i32
    %scan3A_14 = arith.constant 0 : i32
    %scan3A_15 = arith.constant 26 : i32
    %scan3A_16 = arith.addi %scan3A_14, %scan3A_15 : i32
    %scan3A_17 = arith.constant 1 : i32
    %scan3A_18 = scf.for %scan3A_20 = %scan3A_14 to %scan3A_16 step %scan3A_17 iter_args(%scan3A_21 = %scan3A) -> (i32)  : i32 {
      %add3A_22 = arith.addi %mul3A_2, %scan3A_20 : i32
      %eq3A = arith.constant 0 : i32
      %eq3A_23 = arith.cmpi eq, %scan3A_20, %eq3A : i32
      %jit3A = arith.constant 32 : i32
      %eq3A_24 = arith.constant 0 : i32
      %eq3A_25 = arith.cmpi eq, %jit3A, %eq3A_24 : i32
      %jit3A_26 = arith.constant 1 : i32
      %select_n3A = arith.select %eq3A_25, %jit3A_26, %jit3A : i32
      %rem3A = arith.remsi %add3A_22, %select_n3A : i32
      %ne3A = arith.constant 0 : i32
      %ne3A_27 = arith.cmpi ne, %rem3A, %ne3A : i32
      %lt3A = arith.constant 0 : i32
      %lt3A_28 = arith.cmpi slt, %rem3A, %lt3A : i32
      %lt3A_29 = arith.constant 0 : i32
      %lt3A_30 = arith.cmpi slt, %select_n3A, %lt3A_29 : i32
      %ne3A_31 = arith.xori %lt3A_28, %lt3A_30 : i1
      %and3A = arith.andi %ne3A_31, %ne3A_27 : i1
      %add3A_32 = arith.addi %rem3A, %select_n3A : i32
      %select_n3A_33 = arith.select %and3A, %add3A_32, %rem3A : i32
      %eq3A_34 = arith.constant 0 : i32
      %eq3A_35 = arith.cmpi eq, %select_n3A_33, %eq3A_34 : i32
      %or3A = arith.ori %eq3A_23, %eq3A_35 : i1
      %convert_element_type3A = arith.extui %or3A : i1 to i32
      %cond3A = arith.constant 0 : i32
      %cond3A_36 = arith.cmpi ne, %convert_element_type3A, %cond3A : i32
      scf.if %cond3A_36 {
        %jit3A_70 = arith.constant 32 : i32
        %div3A = arith.divsi %add3A_22, %jit3A_70 : i32
        %sign3A = arith.constant 0 : i32
        %sign3A_71 = arith.cmpi sgt, %add3A_22, %sign3A : i32
        %sign3A_72 = arith.extui %sign3A_71 : i1 to i32
        %sign3A_73 = arith.constant 0 : i32
        %sign3A_74 = arith.cmpi slt, %add3A_22, %sign3A_73 : i32
        %sign3A_75 = arith.extui %sign3A_74 : i1 to i32
        %sign3A_76 = arith.subi %sign3A_72, %sign3A_75 : i32
        %sign3A_77 = arith.constant 0 : i32
        %sign3A_78 = arith.cmpi sgt, %jit3A_70, %sign3A_77 : i32
        %sign3A_79 = arith.extui %sign3A_78 : i1 to i32
        %sign3A_80 = arith.constant 0 : i32
        %sign3A_81 = arith.cmpi slt, %jit3A_70, %sign3A_80 : i32
        %sign3A_82 = arith.extui %sign3A_81 : i1 to i32
        %sign3A_83 = arith.subi %sign3A_79, %sign3A_82 : i32
        %ne3A_84 = arith.cmpi ne, %sign3A_76, %sign3A_83 : i32
        %rem3A_85 = arith.remsi %add3A_22, %jit3A_70 : i32
        %ne3A_86 = arith.constant 0 : i32
        %ne3A_87 = arith.cmpi ne, %rem3A_85, %ne3A_86 : i32
        %and3A_88 = arith.andi %ne3A_84, %ne3A_87 : i1
        %sub3A = arith.constant 1 : i32
        %sub3A_89 = arith.subi %div3A, %sub3A : i32
        %select_n3A_90 = arith.select %and3A_88, %sub3A_89, %div3A : i32
        "tpu.region"() ({
          %run_scoped3A = tpu.sem_alloc : memref<!tpu.dma_semaphore, #tpu.memory_space<semaphore_mem>>
          %dma_start3A_91 = arith.constant 0 : i32
          %dma_start3A_92 = tpu.memref_slice %arg3[%select_n3A_90, %dma_start3A_91] : memref<26x16384xi32, #tpu.memory_space<hbm>> -> memref<1x16384xi32, #tpu.memory_space<hbm>>
          %dma_start3A_93 = tpu.memref_squeeze %dma_start3A_92 : memref<1x16384xi32, #tpu.memory_space<hbm>> -> memref<16384xi32, #tpu.memory_space<hbm>>
          %dma_start3A_94 = arith.constant 0 : i32
          %dma_start3A_95 = tpu.memref_slice %arg3[%select_n3A_90, %dma_start3A_94] : memref<26x16384xi32, #tpu.memory_space<hbm>> -> memref<1x16384xi32, #tpu.memory_space<hbm>>
          %dma_start3A_96 = tpu.memref_squeeze %dma_start3A_95 : memref<1x16384xi32, #tpu.memory_space<hbm>> -> memref<16384xi32, #tpu.memory_space<hbm>>
          tpu.enqueue_dma source(%dma_start3A_96 : memref<16384xi32, #tpu.memory_space<hbm>>) target(%arg7 : memref<16384xi32, #tpu.memory_space<vmem>>) target_semaphore(%run_scoped3A : memref<!tpu.dma_semaphore, #tpu.memory_space<semaphore_mem>>)
          %dma_wait3A_97 = arith.constant 0 : i32
          %dma_wait3A_98 = tpu.memref_slice %arg3[%select_n3A_90, %dma_wait3A_97] : memref<26x16384xi32, #tpu.memory_space<hbm>> -> memref<1x16384xi32, #tpu.memory_space<hbm>>
          %dma_wait3A_99 = tpu.memref_squeeze %dma_wait3A_98 : memref<1x16384xi32, #tpu.memory_space<hbm>> -> memref<16384xi32, #tpu.memory_space<hbm>>
          %dma_wait3A_100 = arith.constant 0 : i32
          %dma_wait3A_101 = tpu.memref_slice %arg3[%select_n3A_90, %dma_wait3A_100] : memref<26x16384xi32, #tpu.memory_space<hbm>> -> memref<1x16384xi32, #tpu.memory_space<hbm>>
          %dma_wait3A_102 = tpu.memref_squeeze %dma_wait3A_101 : memref<1x16384xi32, #tpu.memory_space<hbm>> -> memref<16384xi32, #tpu.memory_space<hbm>>
          tpu.wait_dma2 semaphore(%run_scoped3A : memref<!tpu.dma_semaphore, #tpu.memory_space<semaphore_mem>>) src(%dma_wait3A_102 : memref<16384xi32, #tpu.memory_space<hbm>>) dst(%arg7 : memref<16384xi32, #tpu.memory_space<vmem>>)
          tpu.yield
        }) : () -> ()
      } else {
      }
      %dma_wait3A = arith.constant 0 : i32
      %dma_wait3A_37 = tpu.memref_slice %arg2[%add3A_22, %dma_wait3A] : memref<832x100000xf32, #tpu.memory_space<hbm>> -> memref<1x49920xf32, #tpu.memory_space<hbm>>
      %dma_wait3A_38 = tpu.memref_squeeze %dma_wait3A_37 : memref<1x49920xf32, #tpu.memory_space<hbm>> -> memref<49920xf32, #tpu.memory_space<hbm>>
      %dma_wait3A_39 = arith.constant 0 : i32
      %dma_wait3A_40 = tpu.memref_slice %arg2[%add3A_22, %dma_wait3A_39] : memref<832x100000xf32, #tpu.memory_space<hbm>> -> memref<1x49920xf32, #tpu.memory_space<hbm>>
      %dma_wait3A_41 = tpu.memref_squeeze %dma_wait3A_40 : memref<1x49920xf32, #tpu.memory_space<hbm>> -> memref<49920xf32, #tpu.memory_space<hbm>>
      tpu.wait_dma2 semaphore(%arg9 : memref<!tpu.dma_semaphore, #tpu.memory_space<semaphore_mem>>) src(%dma_wait3A_41 : memref<49920xf32, #tpu.memory_space<hbm>>) dst(%arg5 : memref<49920xf32, #tpu.memory_space<vmem>>)
      %parallel_loop3A = arith.constant 0 : i32
      %parallel_loop3A_42 = arith.constant 512 : i32
      %parallel_loop3A_43 = arith.constant 1 : i32
      scf.for %parallel_loop3A_70 = %parallel_loop3A to %parallel_loop3A_42 step %parallel_loop3A_43  : i32 {
        %parallel_loop3A_71 = arith.constant 16 : i32
        %parallel_loop3A_72 = arith.muli %parallel_loop3A_70, %parallel_loop3A_71 : i32
        %parallel_loop3A_73 = arith.constant 0 : i32
        %parallel_loop3A_74 = arith.addi %parallel_loop3A_73, %parallel_loop3A_72 : i32
        %parallel_loop3A_75 = arith.index_cast %parallel_loop3A_74 : i32 to index
        %parallel_loop3A_76 = tpu.vector_load %arg7[%parallel_loop3A_75] {strides = array<i32>} : memref<16384xi32, #tpu.memory_space<vmem>>, vector<16xi32>,
        %parallel_loop3A_77 = arith.constant 49920 : i32
        %parallel_loop3A_78 = vector.broadcast %parallel_loop3A_77 : i32 to vector<16xi32>
        %parallel_loop3A_79 = arith.cmpi slt, %parallel_loop3A_76, %parallel_loop3A_78 : vector<16xi32>
        %parallel_loop3A_80 = tpu.vector_load_idx %arg5[%parallel_loop3A_76] masked %parallel_loop3A_79 : memref<49920xf32, #tpu.memory_space<vmem>>[vector<16xi32>], vector<16xf32>, vector<16xi1>
        %parallel_loop3A_81 = arith.constant 0.000000e+00 : f32
        %parallel_loop3A_82 = vector.broadcast %parallel_loop3A_81 : f32 to vector<16xf32>
        %parallel_loop3A_83 = arith.select %parallel_loop3A_79, %parallel_loop3A_80, %parallel_loop3A_82 : vector<16xi1>, vector<16xf32>
        %parallel_loop3A_84 = arith.constant 16 : i32
        %parallel_loop3A_85 = arith.muli %parallel_loop3A_70, %parallel_loop3A_84 : i32
        %parallel_loop3A_86 = arith.index_cast %parallel_loop3A_85 : i32 to index
        %parallel_loop3A_87 = tpu.vector_load %arg8[%parallel_loop3A_86] {strides = array<i32>} : memref<8192xf32, #tpu.memory_space<vmem>>, vector<16xf32>,
        tpu.vector_store %arg8[%parallel_loop3A_86], %parallel_loop3A_83 {strides = array<i32>} : memref<8192xf32, #tpu.memory_space<vmem>>, vector<16xf32>,
      } {sc.loop_unroll_factor = 16 : i64, sc.parallel_access}
      %dma_wait3A_44 = arith.constant 49920 : i32
      %dma_wait3A_45 = tpu.memref_slice %arg2[%add3A_22, %dma_wait3A_44] : memref<832x100000xf32, #tpu.memory_space<hbm>> -> memref<1x50080xf32, #tpu.memory_space<hbm>>
      %dma_wait3A_46 = tpu.memref_squeeze %dma_wait3A_45 : memref<1x50080xf32, #tpu.memory_space<hbm>> -> memref<50080xf32, #tpu.memory_space<hbm>>
      %dma_wait3A_47 = arith.constant 49920 : i32
      %dma_wait3A_48 = tpu.memref_slice %arg2[%add3A_22, %dma_wait3A_47] : memref<832x100000xf32, #tpu.memory_space<hbm>> -> memref<1x50080xf32, #tpu.memory_space<hbm>>
      %dma_wait3A_49 = tpu.memref_squeeze %dma_wait3A_48 : memref<1x50080xf32, #tpu.memory_space<hbm>> -> memref<50080xf32, #tpu.memory_space<hbm>>
      tpu.wait_dma2 semaphore(%arg10 : memref<!tpu.dma_semaphore, #tpu.memory_space<semaphore_mem>>) src(%dma_wait3A_49 : memref<50080xf32, #tpu.memory_space<hbm>>) dst(%arg6 : memref<50080xf32, #tpu.memory_space<vmem>>)
      %parallel_loop3A_50 = arith.constant 0 : i32
      %parallel_loop3A_51 = arith.constant 512 : i32
      %parallel_loop3A_52 = arith.constant 1 : i32
      scf.for %parallel_loop3A_70 = %parallel_loop3A_50 to %parallel_loop3A_51 step %parallel_loop3A_52  : i32 {
        %parallel_loop3A_71 = arith.constant 16 : i32
        %parallel_loop3A_72 = arith.muli %parallel_loop3A_70, %parallel_loop3A_71 : i32
        %parallel_loop3A_73 = arith.constant 0 : i32
        %parallel_loop3A_74 = arith.addi %parallel_loop3A_73, %parallel_loop3A_72 : i32
        %parallel_loop3A_75 = arith.index_cast %parallel_loop3A_74 : i32 to index
        %parallel_loop3A_76 = tpu.vector_load %arg7[%parallel_loop3A_75] {strides = array<i32>} : memref<16384xi32, #tpu.memory_space<vmem>>, vector<16xi32>,
        %parallel_loop3A_77 = arith.constant 49920 : i32
        %parallel_loop3A_78 = vector.broadcast %parallel_loop3A_77 : i32 to vector<16xi32>
        %parallel_loop3A_79 = arith.cmpi sge, %parallel_loop3A_76, %parallel_loop3A_78 : vector<16xi32>
        %parallel_loop3A_80 = arith.constant 49920 : i32
        %parallel_loop3A_81 = vector.broadcast %parallel_loop3A_80 : i32 to vector<16xi32>
        %parallel_loop3A_82 = arith.subi %parallel_loop3A_76, %parallel_loop3A_81 : vector<16xi32>
        %parallel_loop3A_83 = tpu.vector_load_idx %arg6[%parallel_loop3A_82] masked %parallel_loop3A_79 : memref<50080xf32, #tpu.memory_space<vmem>>[vector<16xi32>], vector<16xf32>, vector<16xi1>
        %parallel_loop3A_84 = arith.constant 0.000000e+00 : f32
        %parallel_loop3A_85 = vector.broadcast %parallel_loop3A_84 : f32 to vector<16xf32>
        %parallel_loop3A_86 = arith.select %parallel_loop3A_79, %parallel_loop3A_83, %parallel_loop3A_85 : vector<16xi1>, vector<16xf32>
        %parallel_loop3A_87 = arith.constant 16 : i32
        %parallel_loop3A_88 = arith.muli %parallel_loop3A_70, %parallel_loop3A_87 : i32
        %parallel_loop3A_89 = arith.index_cast %parallel_loop3A_88 : i32 to index
        %parallel_loop3A_90 = tpu.vector_load %arg8[%parallel_loop3A_89] {strides = array<i32>} : memref<8192xf32, #tpu.memory_space<vmem>>, vector<16xf32>,
        tpu.vector_store %arg8[%parallel_loop3A_89], %parallel_loop3A_86 {add = true, strides = array<i32>} : memref<8192xf32, #tpu.memory_space<vmem>>, vector<16xf32>,
      } {sc.loop_unroll_factor = 16 : i64, sc.parallel_access}
      "tpu.region"() ({
        %run_scoped3A = tpu.sem_alloc : memref<!tpu.dma_semaphore, #tpu.memory_space<semaphore_mem>>
        %dma_start3A_70 = arith.constant 0 : i32
        %dma_start3A_71 = tpu.memref_slice %arg4[%add3A_22, %dma_start3A_70] : memref<832x16384xf32, #tpu.memory_space<hbm>> -> memref<1x8192xf32, #tpu.memory_space<hbm>>
        %dma_start3A_72 = tpu.memref_squeeze %dma_start3A_71 : memref<1x8192xf32, #tpu.memory_space<hbm>> -> memref<8192xf32, #tpu.memory_space<hbm>>
        %dma_start3A_73 = arith.constant 0 : i32
        %dma_start3A_74 = tpu.memref_slice %arg4[%add3A_22, %dma_start3A_73] : memref<832x16384xf32, #tpu.memory_space<hbm>> -> memref<1x8192xf32, #tpu.memory_space<hbm>>
        %dma_start3A_75 = tpu.memref_squeeze %dma_start3A_74 : memref<1x8192xf32, #tpu.memory_space<hbm>> -> memref<8192xf32, #tpu.memory_space<hbm>>
        tpu.enqueue_dma source(%arg8 : memref<8192xf32, #tpu.memory_space<vmem>>) target(%dma_start3A_75 : memref<8192xf32, #tpu.memory_space<hbm>>) target_semaphore(%run_scoped3A : memref<!tpu.dma_semaphore, #tpu.memory_space<semaphore_mem>>)
        %dma_wait3A_76 = arith.constant 0 : i32
        %dma_wait3A_77 = tpu.memref_slice %arg4[%add3A_22, %dma_wait3A_76] : memref<832x16384xf32, #tpu.memory_space<hbm>> -> memref<1x8192xf32, #tpu.memory_space<hbm>>
        %dma_wait3A_78 = tpu.memref_squeeze %dma_wait3A_77 : memref<1x8192xf32, #tpu.memory_space<hbm>> -> memref<8192xf32, #tpu.memory_space<hbm>>
        %dma_wait3A_79 = arith.constant 0 : i32
        %dma_wait3A_80 = tpu.memref_slice %arg4[%add3A_22, %dma_wait3A_79] : memref<832x16384xf32, #tpu.memory_space<hbm>> -> memref<1x8192xf32, #tpu.memory_space<hbm>>
        %dma_wait3A_81 = tpu.memref_squeeze %dma_wait3A_80 : memref<1x8192xf32, #tpu.memory_space<hbm>> -> memref<8192xf32, #tpu.memory_space<hbm>>
        tpu.wait_dma2 semaphore(%run_scoped3A : memref<!tpu.dma_semaphore, #tpu.memory_space<semaphore_mem>>) src(%arg8 : memref<8192xf32, #tpu.memory_space<vmem>>) dst(%dma_wait3A_81 : memref<8192xf32, #tpu.memory_space<hbm>>)
        tpu.yield
      }) : () -> ()
      %parallel_loop3A_53 = arith.constant 0 : i32
      %parallel_loop3A_54 = arith.constant 512 : i32
      %parallel_loop3A_55 = arith.constant 1 : i32
      scf.for %parallel_loop3A_70 = %parallel_loop3A_53 to %parallel_loop3A_54 step %parallel_loop3A_55  : i32 {
        %parallel_loop3A_71 = arith.constant 16 : i32
        %parallel_loop3A_72 = arith.muli %parallel_loop3A_70, %parallel_loop3A_71 : i32
        %parallel_loop3A_73 = arith.constant 8192 : i32
        %parallel_loop3A_74 = arith.addi %parallel_loop3A_73, %parallel_loop3A_72 : i32
        %parallel_loop3A_75 = arith.index_cast %parallel_loop3A_74 : i32 to index
        %parallel_loop3A_76 = tpu.vector_load %arg7[%parallel_loop3A_75] {strides = array<i32>} : memref<16384xi32, #tpu.memory_space<vmem>>, vector<16xi32>,
        %parallel_loop3A_77 = arith.constant 49920 : i32
        %parallel_loop3A_78 = vector.broadcast %parallel_loop3A_77 : i32 to vector<16xi32>
        %parallel_loop3A_79 = arith.cmpi slt, %parallel_loop3A_76, %parallel_loop3A_78 : vector<16xi32>
        %parallel_loop3A_80 = tpu.vector_load_idx %arg5[%parallel_loop3A_76] masked %parallel_loop3A_79 : memref<49920xf32, #tpu.memory_space<vmem>>[vector<16xi32>], vector<16xf32>, vector<16xi1>
        %parallel_loop3A_81 = arith.constant 0.000000e+00 : f32
        %parallel_loop3A_82 = vector.broadcast %parallel_loop3A_81 : f32 to vector<16xf32>
        %parallel_loop3A_83 = arith.select %parallel_loop3A_79, %parallel_loop3A_80, %parallel_loop3A_82 : vector<16xi1>, vector<16xf32>
        %parallel_loop3A_84 = arith.constant 16 : i32
        %parallel_loop3A_85 = arith.muli %parallel_loop3A_70, %parallel_loop3A_84 : i32
        %parallel_loop3A_86 = arith.index_cast %parallel_loop3A_85 : i32 to index
        %parallel_loop3A_87 = tpu.vector_load %arg8[%parallel_loop3A_86] {strides = array<i32>} : memref<8192xf32, #tpu.memory_space<vmem>>, vector<16xf32>,
        tpu.vector_store %arg8[%parallel_loop3A_86], %parallel_loop3A_83 {strides = array<i32>} : memref<8192xf32, #tpu.memory_space<vmem>>, vector<16xf32>,
      } {sc.loop_unroll_factor = 16 : i64, sc.parallel_access}
      %lt3A_56 = arith.constant 25 : i32
      %lt3A_57 = arith.cmpi slt, %scan3A_20, %lt3A_56 : i32
      %convert_element_type3A_58 = arith.extui %lt3A_57 : i1 to i32
      %cond3A_59 = arith.constant 0 : i32
      %cond3A_60 = arith.cmpi ne, %convert_element_type3A_58, %cond3A_59 : i32
      scf.if %cond3A_60 {
        %add3A_70 = arith.constant 1 : i32
        %add3A_71 = arith.addi %add3A_22, %add3A_70 : i32
        %dma_start3A_72 = arith.constant 0 : i32
        %dma_start3A_73 = tpu.memref_slice %arg2[%add3A_71, %dma_start3A_72] : memref<832x100000xf32, #tpu.memory_space<hbm>> -> memref<1x49920xf32, #tpu.memory_space<hbm>>
        %dma_start3A_74 = tpu.memref_squeeze %dma_start3A_73 : memref<1x49920xf32, #tpu.memory_space<hbm>> -> memref<49920xf32, #tpu.memory_space<hbm>>
        %dma_start3A_75 = arith.constant 0 : i32
        %dma_start3A_76 = tpu.memref_slice %arg2[%add3A_71, %dma_start3A_75] : memref<832x100000xf32, #tpu.memory_space<hbm>> -> memref<1x49920xf32, #tpu.memory_space<hbm>>
        %dma_start3A_77 = tpu.memref_squeeze %dma_start3A_76 : memref<1x49920xf32, #tpu.memory_space<hbm>> -> memref<49920xf32, #tpu.memory_space<hbm>>
        tpu.enqueue_dma source(%dma_start3A_77 : memref<49920xf32, #tpu.memory_space<hbm>>) target(%arg5 : memref<49920xf32, #tpu.memory_space<vmem>>) target_semaphore(%arg9 : memref<!tpu.dma_semaphore, #tpu.memory_space<semaphore_mem>>)
      } else {
      }
      %parallel_loop3A_61 = arith.constant 0 : i32
      %parallel_loop3A_62 = arith.constant 512 : i32
      %parallel_loop3A_63 = arith.constant 1 : i32
      scf.for %parallel_loop3A_70 = %parallel_loop3A_61 to %parallel_loop3A_62 step %parallel_loop3A_63  : i32 {
        %parallel_loop3A_71 = arith.constant 16 : i32
        %parallel_loop3A_72 = arith.muli %parallel_loop3A_70, %parallel_loop3A_71 : i32
        %parallel_loop3A_73 = arith.constant 8192 : i32
        %parallel_loop3A_74 = arith.addi %parallel_loop3A_73, %parallel_loop3A_72 : i32
        %parallel_loop3A_75 = arith.index_cast %parallel_loop3A_74 : i32 to index
        %parallel_loop3A_76 = tpu.vector_load %arg7[%parallel_loop3A_75] {strides = array<i32>} : memref<16384xi32, #tpu.memory_space<vmem>>, vector<16xi32>,
        %parallel_loop3A_77 = arith.constant 49920 : i32
        %parallel_loop3A_78 = vector.broadcast %parallel_loop3A_77 : i32 to vector<16xi32>
        %parallel_loop3A_79 = arith.cmpi sge, %parallel_loop3A_76, %parallel_loop3A_78 : vector<16xi32>
        %parallel_loop3A_80 = arith.constant 49920 : i32
        %parallel_loop3A_81 = vector.broadcast %parallel_loop3A_80 : i32 to vector<16xi32>
        %parallel_loop3A_82 = arith.subi %parallel_loop3A_76, %parallel_loop3A_81 : vector<16xi32>
        %parallel_loop3A_83 = tpu.vector_load_idx %arg6[%parallel_loop3A_82] masked %parallel_loop3A_79 : memref<50080xf32, #tpu.memory_space<vmem>>[vector<16xi32>], vector<16xf32>, vector<16xi1>
        %parallel_loop3A_84 = arith.constant 0.000000e+00 : f32
        %parallel_loop3A_85 = vector.broadcast %parallel_loop3A_84 : f32 to vector<16xf32>
        %parallel_loop3A_86 = arith.select %parallel_loop3A_79, %parallel_loop3A_83, %parallel_loop3A_85 : vector<16xi1>, vector<16xf32>
        %parallel_loop3A_87 = arith.constant 16 : i32
        %parallel_loop3A_88 = arith.muli %parallel_loop3A_70, %parallel_loop3A_87 : i32
        %parallel_loop3A_89 = arith.index_cast %parallel_loop3A_88 : i32 to index
        %parallel_loop3A_90 = tpu.vector_load %arg8[%parallel_loop3A_89] {strides = array<i32>} : memref<8192xf32, #tpu.memory_space<vmem>>, vector<16xf32>,
        tpu.vector_store %arg8[%parallel_loop3A_89], %parallel_loop3A_86 {add = true, strides = array<i32>} : memref<8192xf32, #tpu.memory_space<vmem>>, vector<16xf32>,
      } {sc.loop_unroll_factor = 16 : i64, sc.parallel_access}
      "tpu.region"() ({
        %run_scoped3A = tpu.sem_alloc : memref<!tpu.dma_semaphore, #tpu.memory_space<semaphore_mem>>
        %dma_start3A_70 = arith.constant 8192 : i32
        %dma_start3A_71 = tpu.memref_slice %arg4[%add3A_22, %dma_start3A_70] : memref<832x16384xf32, #tpu.memory_space<hbm>> -> memref<1x8192xf32, #tpu.memory_space<hbm>>
        %dma_start3A_72 = tpu.memref_squeeze %dma_start3A_71 : memref<1x8192xf32, #tpu.memory_space<hbm>> -> memref<8192xf32, #tpu.memory_space<hbm>>
        %dma_start3A_73 = arith.constant 8192 : i32
        %dma_start3A_74 = tpu.memref_slice %arg4[%add3A_22, %dma_start3A_73] : memref<832x16384xf32, #tpu.memory_space<hbm>> -> memref<1x8192xf32, #tpu.memory_space<hbm>>
        %dma_start3A_75 = tpu.memref_squeeze %dma_start3A_74 : memref<1x8192xf32, #tpu.memory_space<hbm>> -> memref<8192xf32, #tpu.memory_space<hbm>>
        tpu.enqueue_dma source(%arg8 : memref<8192xf32, #tpu.memory_space<vmem>>) target(%dma_start3A_75 : memref<8192xf32, #tpu.memory_space<hbm>>) target_semaphore(%run_scoped3A : memref<!tpu.dma_semaphore, #tpu.memory_space<semaphore_mem>>)
        %dma_wait3A_76 = arith.constant 8192 : i32
        %dma_wait3A_77 = tpu.memref_slice %arg4[%add3A_22, %dma_wait3A_76] : memref<832x16384xf32, #tpu.memory_space<hbm>> -> memref<1x8192xf32, #tpu.memory_space<hbm>>
        %dma_wait3A_78 = tpu.memref_squeeze %dma_wait3A_77 : memref<1x8192xf32, #tpu.memory_space<hbm>> -> memref<8192xf32, #tpu.memory_space<hbm>>
        %dma_wait3A_79 = arith.constant 8192 : i32
        %dma_wait3A_80 = tpu.memref_slice %arg4[%add3A_22, %dma_wait3A_79] : memref<832x16384xf32, #tpu.memory_space<hbm>> -> memref<1x8192xf32, #tpu.memory_space<hbm>>
        %dma_wait3A_81 = tpu.memref_squeeze %dma_wait3A_80 : memref<1x8192xf32, #tpu.memory_space<hbm>> -> memref<8192xf32, #tpu.memory_space<hbm>>
        tpu.wait_dma2 semaphore(%run_scoped3A : memref<!tpu.dma_semaphore, #tpu.memory_space<semaphore_mem>>) src(%arg8 : memref<8192xf32, #tpu.memory_space<vmem>>) dst(%dma_wait3A_81 : memref<8192xf32, #tpu.memory_space<hbm>>)
        tpu.yield
      }) : () -> ()
      %lt3A_64 = arith.constant 25 : i32
      %lt3A_65 = arith.cmpi slt, %scan3A_20, %lt3A_64 : i32
      %convert_element_type3A_66 = arith.extui %lt3A_65 : i1 to i32
      %cond3A_67 = arith.constant 0 : i32
      %cond3A_68 = arith.cmpi ne, %convert_element_type3A_66, %cond3A_67 : i32
      scf.if %cond3A_68 {
        %add3A_70 = arith.constant 1 : i32
        %add3A_71 = arith.addi %add3A_22, %add3A_70 : i32
        %dma_start3A_72 = arith.constant 49920 : i32
        %dma_start3A_73 = tpu.memref_slice %arg2[%add3A_71, %dma_start3A_72] : memref<832x100000xf32, #tpu.memory_space<hbm>> -> memref<1x50080xf32, #tpu.memory_space<hbm>>
        %dma_start3A_74 = tpu.memref_squeeze %dma_start3A_73 : memref<1x50080xf32, #tpu.memory_space<hbm>> -> memref<50080xf32, #tpu.memory_space<hbm>>
        %dma_start3A_75 = arith.constant 49920 : i32
        %dma_start3A_76 = tpu.memref_slice %arg2[%add3A_71, %dma_start3A_75] : memref<832x100000xf32, #tpu.memory_space<hbm>> -> memref<1x50080xf32, #tpu.memory_space<hbm>>
        %dma_start3A_77 = tpu.memref_squeeze %dma_start3A_76 : memref<1x50080xf32, #tpu.memory_space<hbm>> -> memref<50080xf32, #tpu.memory_space<hbm>>
        tpu.enqueue_dma source(%dma_start3A_77 : memref<50080xf32, #tpu.memory_space<hbm>>) target(%arg6 : memref<50080xf32, #tpu.memory_space<vmem>>) target_semaphore(%arg10 : memref<!tpu.dma_semaphore, #tpu.memory_space<semaphore_mem>>)
      } else {
      }
      %scan3A_69 = arith.constant 0 : i32
      scf.yield %scan3A_69 : i32
    }
    %scan3A_19 = arith.constant 26 : i32
    return
  }
}

module attributes {stable_mosaic.version = 14 : i64} {
  func.func @_mlp_body(%arg0: i32, %arg1: memref<832x2048xf32, #tpu.memory_space<vmem>>, %arg2: memref<2048x16xf32, #tpu.memory_space<vmem>>, %arg3: memref<832x128xf32, #tpu.memory_space<vmem>>, %arg4: memref<16x128xf32, #tpu.memory_space<vmem>>, %arg5: memref<1x128xf32, #tpu.memory_space<vmem>>, %arg6: memref<2048x128xf32, #tpu.memory_space<vmem>>) attributes {dimension_semantics = [#tpu.dimension_semantics<arbitrary>], iteration_bounds = array<i64: 8>, scalar_prefetch = 0 : i64, scratch_operands = 0 : i64, tpu.core_type = #tpu.core_type<tc>, window_params = [{transform_indices = @transform_0, window_bounds = array<i64: 832, 2048>}, {transform_indices = @transform_1, window_bounds = array<i64: 2048, 16>}, {pipeline_mode = #tpu.pipeline_mode<synchronous>, transform_indices = @transform_2, window_bounds = array<i64: 832, 128>}, {pipeline_mode = #tpu.pipeline_mode<synchronous>, transform_indices = @transform_3, window_bounds = array<i64: 16, 128>}, {pipeline_mode = #tpu.pipeline_mode<synchronous>, transform_indices = @transform_4, window_bounds = array<i64: 1, 128>}, {transform_indices = @transform_5, window_bounds = array<i64: 2048, 128>}]} {
    %get3A = arith.constant 0 : index
    %get3A_0 = arith.constant 0 : index
    %get3A_1 = vector.load %arg1[%get3A, %get3A_0] : memref<832x2048xf32, #tpu.memory_space<vmem>>, vector<832x2048xf32>
    %get3A_2 = arith.constant 0 : index
    %get3A_3 = arith.constant 0 : index
    %get3A_4 = vector.load %arg3[%get3A_2, %get3A_3] : memref<832x128xf32, #tpu.memory_space<vmem>>, vector<832x128xf32>
    %dot_general3A = arith.constant dense<0.000000e+00> : vector<2048x128xf32>
    %dot_general3A_5 = tpu.matmul %get3A_1, %get3A_4, %dot_general3A {dimension_numbers = #tpu.dot_dimension_numbers<[0], [0], [1], [1], [0, 1, 1, 1], [], []>, transpose_lhs_hint = false} : vector<832x2048xf32>, vector<832x128xf32>, vector<2048x128xf32> -> vector<2048x128xf32>
    %get3A_6 = arith.constant 0 : index
    %get3A_7 = arith.constant 0 : index
    %get3A_8 = vector.load %arg2[%get3A_6, %get3A_7] : memref<2048x16xf32, #tpu.memory_space<vmem>>, vector<2048x16xf32>
    %get3A_9 = arith.constant 0 : index
    %get3A_10 = arith.constant 0 : index
    %get3A_11 = vector.load %arg4[%get3A_9, %get3A_10] : memref<16x128xf32, #tpu.memory_space<vmem>>, vector<16x128xf32>
    %dot_general3A_12 = arith.constant dense<0.000000e+00> : vector<2048x128xf32>
    %dot_general3A_13 = tpu.matmul %get3A_8, %get3A_11, %dot_general3A_12 {dimension_numbers = #tpu.dot_dimension_numbers<[1], [0], [0], [1], [0, 0, 1, 1], [], []>, transpose_lhs_hint = false} : vector<2048x16xf32>, vector<16x128xf32>, vector<2048x128xf32> -> vector<2048x128xf32>
    %add3A = arith.addf %dot_general3A_5, %dot_general3A_13 : vector<2048x128xf32>
    %get3A_14 = arith.constant 0 : index
    %get3A_15 = arith.constant 0 : index
    %get3A_16 = vector.load %arg5[%get3A_14, %get3A_15] : memref<1x128xf32, #tpu.memory_space<vmem>>, vector<1x128xf32>
    %add3A_17 = vector.broadcast %get3A_16 : vector<1x128xf32> to vector<2048x128xf32>
    %add3A_18 = arith.addf %add3A, %add3A_17 : vector<2048x128xf32>
    %max3A = arith.constant 0.000000e+00 : f32
    %max3A_19 = vector.broadcast %max3A : f32 to vector<2048x128xf32>
    %max3A_20 = arith.maximumf %add3A_18, %max3A_19 : vector<2048x128xf32>
    %swap3A = arith.constant 0 : index
    %swap3A_21 = arith.constant 0 : index
    %swap3A_22 = vector.load %arg6[%swap3A, %swap3A_21] : memref<2048x128xf32, #tpu.memory_space<vmem>>, vector<2048x128xf32>
    tpu.vector_store %arg6[%swap3A, %swap3A_21], %max3A_20 {strides = array<i32>} : memref<2048x128xf32, #tpu.memory_space<vmem>>, vector<2048x128xf32>,
    return
  }
  func.func @transform_0(%arg0: i32) -> (i32, i32) {
    %c0_i32 = arith.constant 0 : i32
    %c0_i32_0 = arith.constant 0 : i32
    return %c0_i32, %arg0 : i32, i32
  }
  func.func @transform_1(%arg0: i32) -> (i32, i32) {
    %c0_i32 = arith.constant 0 : i32
    %c0_i32_0 = arith.constant 0 : i32
    return %arg0, %c0_i32 : i32, i32
  }
  func.func @transform_2(%arg0: i32) -> (i32, i32) {
    %c0_i32 = arith.constant 0 : i32
    %c0_i32_0 = arith.constant 0 : i32
    %c0_i32_1 = arith.constant 0 : i32
    return %c0_i32, %c0_i32_0 : i32, i32
  }
  func.func @transform_3(%arg0: i32) -> (i32, i32) {
    %c0_i32 = arith.constant 0 : i32
    %c0_i32_0 = arith.constant 0 : i32
    %c0_i32_1 = arith.constant 0 : i32
    return %c0_i32, %c0_i32_0 : i32, i32
  }
  func.func @transform_4(%arg0: i32) -> (i32, i32) {
    %c0_i32 = arith.constant 0 : i32
    %c0_i32_0 = arith.constant 0 : i32
    %c0_i32_1 = arith.constant 0 : i32
    return %c0_i32, %c0_i32_0 : i32, i32
  }
  func.func @transform_5(%arg0: i32) -> (i32, i32) {
    %c0_i32 = arith.constant 0 : i32
    %c0_i32_0 = arith.constant 0 : i32
    return %arg0, %c0_i32 : i32, i32
  }
}

</mosaic_0001>

<sc_bundles>
// kernel: kernel.4.cloned.1.call-start
scs
__scs_entry_jumppad:
0x0: {  	(pc) =	sbr.rel $0x88, $3  }
0x1: {  	(tag) =	ssettag $0x0;
	lr =	simm.s32 $0x1  }
0x2: {  	[smem:$0x3F9C] =	sst lr;
	_ =	strace $0xD0000000  }
0x3: {  	_ = 	snop  }
0x4: {  	_ = 	snop  }
0x5: {  	_ = 	snop  }
0x6: {  	_ = 	snop  }
0x7: {  	_ = 	snop  }
__scs_overlays_trampoline_lowered:
0x8: {  	[smem:$0x3FAB] =	sst s0  }
0x9: {  	[smem:$0x3FAC] =	sst s1  }
0xa: {  	[smem:$0x3FAD] =	sst s2  }
0xb: {  	[smem:$0x3FAE] =	sst s3  }
0xc: {  	[smem:$0x3FAF] =	sst s4  }
0xd: {  	[smem:$0x3FB0] =	sst s5  }
0xe: {  	[smem:$0x3FB1] =	sst s6  }
0xf: {  	[smem:$0x3FB2] =	sst s7  }
0x10: {  	[smem:$0x3FB3] =	sst s8  }
0x11: {  	[smem:$0x3FB4] =	sst s9;
	s0 =	simm.s32 @!p0 $0x0  }
0x12: {  	s1 =	sld [smem:$0x3F9A];
	s0 =	simm.s32 @p0 $0x1  }
0x13: {  	[smem:$0x3FB5] =	sst s0;
	s0 =	simm.s32 @!p1 $0x0  }
0x14: {  	s2 =	sld [smem:$0x3F99];
	s0 =	simm.s32 @p1 $0x1  }
0x15: {  	[smem:$0x3FB6] =	sst s0;
	s0 =	simm.s32 @!p2 $0x0  }
0x16: {  	s3 =	sld [smem:$0x3FDB];
	s0 =	simm.s32 @p2 $0x1  }
0x17: {  	s4 =	simm.s32 $0x1BF5;
	[smem:$0x3FB8] =	sst s0  }
0x18: {  	s0 =	sld [smem:$0x3F9B];
	_ =	swait.ge [sflag:s4], $0x0  }
0x19: {  	s7 =	sld [smem:$0x3F9C]  }
0x1a: {  	s8 =	sadd.s32 $0xFFFFE003, lr  }
0x1b: {  	s9 =	sadd.s32 $0xFFFFFEF7, lr;
	s5 =	simm.s32 $0xFFFFFFFF;
	p2 =	slt.u32 s8, $0xFFFFF086  }
0x1c: {  	p1 =	slt.u32 s9, $0xF7A;
	s5 =	simm.s32 @!p2 $0x0  }
0x1d: {  	s5 =	simm.s32 @p1 $0x1;
	p0 =	seq.s32 s7, s2  }
0x1e: {  	s7 =	smul.u32 @!p0 $0xF7A, s2;
	p2 =	seq.s32 @!p0 s5, $0x0  }
0x1f: {  	s9 =	smul.u32 $0xF7A, s1;
	s8 =	simm.s32 @!p0 $0x1BF5;
	p2 =	por !p2, p0  }
0x20: {  	[sflag:s8] =	ssyncset.s32 @!p0 $0xFFFFF086;
	s6 =	sadd.s32 @!p0 s3, s7;
	s7 =	simm.s32 @!p0 $0x108  }
0x21: {  	s3 =	sadd.s32 s3, s9;
	s6 =	sadd.s32 @!p0 $0x88, s6;
	s7 =	simm.s32 @p2 $0x1082  }
0x22: {  	[simem:s7], [sflag:s8] =	dma.local @!p0 [hbm:s6], $0xF7A  }
0x23: {  	s9 =	sor.u32 $0xD0000000, s2;
	s6 =	simm.s32 $0x108;
	_ =	swait.ge @!p0 [sflag:s8], $0x0  }
0x24: {  	s3 =	sadd.s32 $0x88, s3;
	s6 =	simm.s32 @!p1 $0x1082;
	[sflag:s4] =	ssyncset.s32 $0xFFFFF086  }
0x25: {  	[simem:s6], [sflag:s4] =	dma.local [hbm:s3], $0xF7A  }
0x26: {  	[smem:$0x3F9C] =	sst s1;
	(tag) =	ssettag s2;
	_ =	strace s9  }
0x27: {  	s1 =	sld [smem:$0x3FAC]  }
0x28: {  	s2 =	sld [smem:$0x3FAD]  }
0x29: {  	s4 =	sld [smem:$0x3FAF]  }
0x2a: {  	p0 =	seq.s32 s5, $0x0;
	s5 =	sld [smem:$0x3FB0]  }
0x2b: {  	s6 =	sld [smem:$0x3FB1]  }
0x2c: {  	s7 =	sld [smem:$0x3FB2]  }
0x2d: {  	s3 =	simm.s32 $0x108;
	s8 =	sld [smem:$0x3FB3]  }
0x2e: {  	s3 =	simm.s32 @!p0 $0x1082;
	s9 =	sld [smem:$0x3FB4]  }
0x2f: {  	lr =	sadd.s32 s0, s3;
	s0 =	sld [smem:$0x3FAB]  }
0x30: {  	s3 =	sld [smem:$0x3FAE]  }
0x31: {  	[smem:$0x3FB7] =	sst s10  }
0x32: {  	s10 =	sld [smem:$0x3FB5];
	_ =	sdelay $0x3  }
0x33: {  	p0 =	seq.s32 s10, $0x1;
	s10 =	sld [smem:$0x3FB7];
	_ =	sdelay $0x3  }
0x34: {  	[smem:$0x3FB7] =	sst s10  }
0x35: {  	s10 =	sld [smem:$0x3FB6];
	_ =	sdelay $0x3  }
0x36: {  	p1 =	seq.s32 s10, $0x1;
	s10 =	sld [smem:$0x3FB7];
	_ =	sdelay $0x3  }
0x37: {  	[smem:$0x3FB7] =	sst s10  }
0x38: {  	s10 =	sld [smem:$0x3FB8]  }
0x39: {  	_ = 	snop;
	(pc) =	sbr.ind lr, $3  }
0x3a: {  	_ = 	snop  }
0x3b: {  	_ = 	snop  }
0x3c: {  	p2 =	seq.s32 s10, $0x1;
	s10 =	sld [smem:$0x3FB7]  }
0x3d: {  	_ =	shalt  }
0x3e: {  	_ =	shalt  }
0x3f: {  	_ =	shalt  }
0x40: {  	_ =	shalt  }
0x41: {  	_ =	shalt  }
0x42: {  	_ =	shalt  }
0x43: {  	_ =	shalt  }
0x44: {  	_ =	shalt  }
0x45: {  	_ =	shalt  }
0x46: {  	_ =	shalt  }
0x47: {  	_ =	shalt  }
0x48: {  	_ =	shalt  }
0x49: {  	_ =	shalt  }
0x4a: {  	_ =	shalt  }
0x4b: {  	_ =	shalt  }
0x4c: {  	_ =	shalt  }
0x4d: {  	_ =	shalt  }
0x4e: {  	_ =	shalt  }
0x4f: {  	_ =	shalt  }
0x50: {  	_ =	shalt  }
0x51: {  	_ =	shalt  }
0x52: {  	_ =	shalt  }
0x53: {  	_ =	shalt  }
0x54: {  	_ =	shalt  }
0x55: {  	_ =	shalt  }
0x56: {  	_ =	shalt  }
0x57: {  	_ =	shalt  }
0x58: {  	_ =	shalt  }
0x59: {  	_ =	shalt  }
0x5a: {  	_ =	shalt  }
0x5b: {  	_ =	shalt  }
0x5c: {  	_ =	shalt  }
0x5d: {  	_ =	shalt  }
0x5e: {  	_ =	shalt  }
0x5f: {  	_ =	shalt  }
0x60: {  	_ =	shalt  }
0x61: {  	_ =	shalt  }
0x62: {  	_ =	shalt  }
0x63: {  	_ =	shalt  }
0x64: {  	_ =	shalt  }
0x65: {  	_ =	shalt  }
0x66: {  	_ =	shalt  }
0x67: {  	_ =	shalt  }
0x68: {  	_ =	shalt  }
0x69: {  	_ =	shalt  }
0x6a: {  	_ =	shalt  }
0x6b: {  	_ =	shalt  }
0x6c: {  	_ =	shalt  }
0x6d: {  	_ =	shalt  }
0x6e: {  	_ =	shalt  }
0x6f: {  	_ =	shalt  }
0x70: {  	_ =	shalt  }
0x71: {  	_ =	shalt  }
0x72: {  	_ =	shalt  }
0x73: {  	_ =	shalt  }
0x74: {  	_ =	shalt  }
0x75: {  	_ =	shalt  }
0x76: {  	_ =	shalt  }
0x77: {  	_ =	shalt  }
0x78: {  	_ =	shalt  }
0x79: {  	_ =	shalt  }
0x7a: {  	_ =	shalt  }
0x7b: {  	_ =	shalt  }
0x7c: {  	_ =	shalt  }
0x7d: {  	_ =	shalt  }
0x7e: {  	_ =	shalt  }
0x7f: {  	_ =	shalt  }
0x80: {  	_ =	shalt  }
0x81: {  	_ =	shalt  }
0x82: {  	_ =	shalt  }
0x83: {  	_ =	shalt  }
0x84: {  	_ =	shalt  }
0x85: {  	_ =	shalt  }
0x86: {  	_ =	shalt  }
0x87: {  	_ =	shalt  }
.Lfunc_end0:
.L_simem_size_0:
called_computation_lowered:
.L_overlay_start_0:
0x88: {  	s2 =	sld [smem:$0x3FD9]  }
0x89: {  	s3 =	sld [smem:$0x3FFE];
	_ =	sdelay $0x1  }
0x8a: {  	s1 =	srdreg.scid  }
0x8b: {  	s0 =	sand.u32 $0x1, s1  }
0x8c: {  	s17 =	sshll.u32 s0, $0xA;
	s2 =	sadd.s32 s3, s2  }
0x8d: {  	s2 =	sadd.s32 s2, s17  }
0x8e: {  	[smem:$0x3FC3] =	sst s2  }
0x8f: {  	_ = 	snop  }
0x90: {  	s2 =	sld [smem:$0x3FC9]  }
0x91: {  	s18 =	sld [smem:$0x3FC7];
	(tm) =	ssettm $0x1  }
0x92: {  	s4 =	sld [smem:$0x3FFB];
	_ =	sdelay $0x3  }
0x93: {  	_ =	strace s4  }
0x94: {  	s4 =	sld [smem:$0x3FFC];
	_ =	sdelay $0x3  }
0x95: {  	_ =	strace s4  }
0x96: {  	s4 =	sld [smem:$0x3FFD];
	_ =	sdelay $0x3  }
0x97: {  	_ =	strace s4  }
0x98: {  	_ =	strace $0x8FFFFFFF  }
0x99: {  	s19 =	sld [smem:$0x3FDB];
	_ =	sdelay $0x1  }
0x9a: {  	s5 =	simm.s32 $_scs_section_size  }
0x9b: {  	s6 =	simm.s32 $_size__tile_overlayer_lowered;
	s7 =	simm.s32 $_tile_overlayer_lowered  }
0x9c: {  	s22 =	simm.s32 $0x1BFF;
	s21 =	sshll.u32 s7, $0x1;
	s4 =	sadd.s32 s5, s19  }
0x9d: {  	s8 =	simm.s32 $0x0;
	s20 =	sshll.u32 s6, $0x1;
	s6 =	sadd.s32 s21, s4  }
0x9e: {  	[timem:s8], [sflag:s22] =	dma.local [hbm:s6], s20  }
0x9f: {  	_ =	swait.ge [sflag:s22], s20  }
0xa0: {  	s5 =	ssub.s32 $0x0, s20;
	[sflag:s22] =	ssyncset.done $0x0  }
0xa1: {  	[sflag:s22] =	ssyncadd.s32 s5;
	_ =	sdelay $0x1  }
0xa2: {  	s23 =	simm.s32 $0x1B8B  }
0xa3: {  	_ =	swait.ge [sflag:s23], $0x1  }
0xa4: {  	[sflag:s23] =	ssyncset.done $0x0  }
0xa5: {  	s25 =	simm.s32 $0x1B8E;
	s24 =	sld [smem:$0x3FFE];
	[sflag:s23] =	ssyncadd.s32 $0xFFFFFFFF  }
0xa6: {  	s26 =	simm.s32 $execute0_lowered;
	[smem:$0x3FD2] =	sst s25  }
0xa7: {  	s6 =	sshll.u32 s26, $0x1;
	_ =	strace $0x80000046;
	[dreg:$0x1] =	wrdreg $0xFFFFFFFF  }
0xa8: {  	s28 =	simm.s32 $_size_execute0_lowered;
	s4 =	sadd.s32 s4, s6;
	[dreg:$0x0] =	wrdreg $0x0  }
0xa9: {  	s6 =	sshll.u32 s28, $0x1;
	[dreg:$0x2] =	wrdreg s4  }
0xaa: {  	[dreg:$0x3] =	wrdreg s6  }
0xab: {  	[dreg:$0x4] =	wrdreg $0xC0  }
0xac: {  	_ =	task [dreg:s8], $0x5FFFF  }
0xad: {  	[dreg:$0x1] =	wrdreg $0xFFFFFFFF  }
0xae: {  	[dreg:$0x0] =	wrdreg $0x60  }
0xaf: {  	[dreg:$0x2] =	wrdreg s18  }
0xb0: {  	[dreg:$0x3] =	wrdreg s2  }
0xb1: {  	[dreg:$0x4] =	wrdreg s24  }
0xb2: {  	[dreg:$0x5] =	wrdreg $0x9  }
0xb3: {  	_ =	task.clear_ibuf [dreg:s8], $0x6FFFF;
	_ =	strace $0x90000046  }
0xb4: {  	s29 =	simm.s32 $0x9;
	_ =	strace $0x80000048  }
0xb5: {  	_ =	swait.ge [sflag:s29], $0x1  }
0xb6: {  	[sflag:s29] =	ssyncadd.s32 $0xFFFFFFFF  }
0xb7: {  	_ =	strace $0x90000048  }
0xb8: {  	_ =	sfence  }
0xb9: {  	s30 =	sld [smem:$0x0];
	_ =	sdelay $0x2  }
0xba: {  	s31 =	sshll.u32 s1, $0xD;
	s1 =	sshrl.u32 s1, $0x2  }
0xbb: {  	s3 =	sand.u32 $0x4000, s31;
	s1 =	sadd.s32 s1, s30  }
0xbc: {  	s0 =	sor.u32 s3, s0;
	s1 =	sshll.u32 s1, $0x11  }
0xbd: {  	s0 =	sor.u32 s1, s0  }
0xbe: {  	s0 =	sadd.s32 $0x8F2B, s0  }
0xbf: {  	[sflag:s0] =	ssyncadd.remote.s32 $0x1  }
0xc0: {  	_ =	sfence.sel $0xFFFF  }
0xc1: {  	[dreg:$0x0] =	wrdreg $0xFFFFFFFF;
	(pc) =	sbr.abs _section_cstart, $3  }
0xc2: {  	[dreg:$0x1] =	wrdreg $0xFFFFFFFF  }
0xc3: {  	_ =	task.clear_ibuf [dreg:s8], $0x2FFFF;
	_ =	strace $0x9FFFFFFF  }
0xc4: {  	(tm) =	ssettm $0x7FFFFFFF  }
0xc5: {  	_ =	shalt  }
tec
execute0_lowered:
.L_overlay_start_1:
0x0: {  	(tag) =	ssettag $0x1  }
0x1: {  	s2 =	rddreg [dreg:$0x0]  }
0x2: {  	s1 =	srdreg.scid;
	s3 =	rddreg [dreg:$0x1]  }
0x3: {  	s0 =	stileid.u32;
	s9 =	rddreg [dreg:$0x2];
	s5 =	simm.s32 $0x0  }
0x4: {  	s12 =	simm.s32 $0x400;
	s7 =	sand.u32 $0x1, s1;
	s30 =	sshll.u32 s0, $0x1  }
0x5: {  	s13 =	simm.s32 $0xC300;
	s14 =	simm.s32 $0x18700;
	s6 =	sor.u32 s7, s30  }
0x6: {  	s15 =	simm.s32 $0x3;
	s16 =	simm.s32 $0x1;
	s4 =	smul.u32 $0x1A, s6  }
0x7: {  	s17 =	simm.s32 $0x2;
	s18 =	simm.s32 $0x1C700;
	s1 =	rddreg [dreg:$0x3]  }
0x8: {  	s19 =	simm.s32 $0x0;
	[smem:$0x7FF] =	sst s5;
	s8 =	sshrl.u32 s4, $0x3  }
0x9: {  	_ =	strace $0x80000047;
	s6 =	sshll.u32 s6, $0x8;
	s8 =	smul.u32 $0xC3800, s8  }
.Ltmp0:
0xa: {  	s7 =	ssub.s32 $0x2, s7;
	s10 =	sand.u32 $0x300, s6;
	(pc) =	sbr.rel .LBB2_1-.Ltmp0, $4  }
0xb: {  	s31 =	sshrl.u32 s7, $0x1;
	s6 =	sadd.s32 $0xE00, s9;
	s8 =	sor.u32 s10, s8  }
0xc: {  	s10 =	ssub.s32 s7, s31;
	s11 =	sshrl.u32 s8, $0x3;
	s8 =	sadd.s32 $0x61800, s8  }
0xd: {  	s9 =	sadd.s32 $0x2E00, s9;
	s10 =	smax.u32 s10, $0x1;
	s8 =	sshrl.u32 s8, $0x3  }
0xe: {  	s7 =	sadd.s32 s2, s11;
	s11 =	simm.s32 $0x80;
	s8 =	sadd.s32 s2, s8  }
.LBB2_12:
0xf: {  	s19 =	sadd.s32 $0x1, s19  }
0x10: {  	p0 =	sne.s32 s19, s10  }
.Ltmp1:
0x11: {  	_ = 	snop;
	(pc) =	sbr.rel @!p0 .LBB2_13-.Ltmp1, $1  }
0x12: {  	_ =	sdelay $0x3  }
.LBB2_1:
0x13: {  	[tilespmem:s5], [sflag:$0x1] =	stream.strided.gather [hbm4b:s7+s11], $0xC300, s12, s11, $0x38;
	[tilespmem:$0x1E700] =	vst v63  }
0x14: {  	s20 =	simm.s32 $0x0  }
0x15: {  	[tilespmem:s13], [sflag:$0x2] =	stream.strided.gather [hbm4b:s8+s11], $0xC400, s12, s11, $0x38;
	[tilespmem:$0x1E700] =	vst v63  }
.LBB2_2:
0x16: {  	s21 =	sadd.s32 s4, s20  }
0x17: {  	p0 =	seq.s32 s20, $0x0;
	s22 =	sand.u32 $0x1F, s21  }
0x18: {  	p1 =	sne.s32 @!p0 s22, $0x0  }
0x19: {  	p0 =	por p0, !p1  }
0x1a: {  	s22 =	sshrl.u32 @p0 s21, $0x1  }
0x1b: {  	s23 =	sshll.u32 @p0 s21, $0x6;
	s22 =	sand.u32 @p0 $0x70, s22  }
0x1c: {  	s23 =	sand.u32 @p0 $0xFFFC000, s23;
	s22 =	sadd.s32 @p0 s3, s22  }
0x1d: {  	s22 =	sadd.s32 @p0 s23, s22  }
0x1e: {  	[tilespmem:s14], [sflag:$0x3] =	stream.strided.gather @p0 [hbm4b:s22+s11], $0x4000, s12, s11, $0x38;
	[tilespmem:$0x1E700] =	vst v63  }
0x1f: {  	_ =	swait.ge @p0 [sflag:s15], $0x4000  }
0x20: {  	[sflag:s15] =	ssyncset.done @p0 $0x0  }
0x21: {  	[sflag:s15] =	ssyncadd.s32 @p0 $0xFFFFC000  }
0x22: {  	_ =	swait.ge [sflag:s16], $0xC300  }
0x23: {  	[sflag:s16] =	ssyncset.done $0x0  }
0x24: {  	s31 =	simm.s32 $0x18780;
	[sflag:s16] =	ssyncadd.s32 $0xFFFF3D00  }
0x25: {  	v0 =	vld [tilespmem:s31+$0x70]  }
0x26: {  	v1 =	vld [tilespmem:s31+$0xFFFFFF90]  }
0x27: {  	v2 =	vld [tilespmem:s31+$0xFFFFFFA0]  }
0x28: {  	v3 =	vld [tilespmem:s31+$0xFFFFFFB0]  }
0x29: {  	v4 =	vld [tilespmem:s31+$0xFFFFFFC0]  }
0x2a: {  	v5 =	vld [tilespmem:s31+$0xFFFFFFD0]  }
0x2b: {  	v6 =	vld [tilespmem:s31+$0xFFFFFFE0]  }
0x2c: {  	v7 =	vld [tilespmem:s31+$0xFFFFFFF0]  }
0x2d: {  	v8 =	vld [tilespmem:s31+$0x0]  }
0x2e: {  	v9 =	vld [tilespmem:s31+$0x10]  }
0x2f: {  	v10 =	vld [tilespmem:s31+$0x20];
	vm2 =	vlt.s32 v0, $0xC300  }
0x30: {  	v11 =	vld [tilespmem:s31+$0x30];
	vm3 =	vlt.s32 v1, $0xC300  }
0x31: {  	v12 =	vld [tilespmem:s31+$0x40];
	vm4 =	vlt.s32 v2, $0xC300  }
0x32: {  	v13 =	vld [tilespmem:s31+$0x50];
	vm12 =	vlt.s32 v3, $0xC300  }
0x33: {  	v14 =	vld [tilespmem:s31+$0x60];
	vm11 =	vlt.s32 v4, $0xC300  }
0x34: {  	v15 =	vld [tilespmem:s31+$0xFFFFFF80];
	vm9 =	vlt.s32 v5, $0xC300  }
0x35: {  	vm10 =	vlt.s32 v6, $0xC300;
	v0 =	vld.idx.msk [tilespmem:v0+s5+$0x0], vm2  }
0x36: {  	vm8 =	vlt.s32 v7, $0xC300;
	v1 =	vld.idx.msk [tilespmem:v1+s5+$0x0], vm3  }
0x37: {  	vm7 =	vlt.s32 v8, $0xC300;
	v2 =	vld.idx.msk [tilespmem:v2+s5+$0x0], vm4  }
0x38: {  	vm6 =	vlt.s32 v9, $0xC300;
	v3 =	vld.idx.msk [tilespmem:v3+s5+$0x0], vm12  }
0x39: {  	vm1 =	vlt.s32 v10, $0xC300;
	v4 =	vld.idx.msk [tilespmem:v4+s5+$0x0], vm11  }
0x3a: {  	vm5 =	vlt.s32 v15, $0xC300;
	v5 =	vld.idx.msk [tilespmem:v5+s5+$0x0], vm9  }
0x3b: {  	s22 =	simm.s32 $0x1C780;
	vm0 =	vlt.s32 v11, $0xC300;
	v6 =	vld.idx.msk [tilespmem:v6+s5+$0x0], vm10;
	v0 =	vnsel vm2, $0x0, v0  }
0x3c: {  	v7 =	vld.idx.msk [tilespmem:v7+s5+$0x0], vm8;
	vm2 =	vlt.s32 v12, $0xC300;
	[tilespmem:s22+$0x70] =	vst v0;
	v0 =	vnsel vm3, $0x0, v1  }
0x3d: {  	v8 =	vld.idx.msk [tilespmem:v8+s5+$0x0], vm7;
	vm3 =	vlt.s32 v13, $0xC300;
	[tilespmem:s22+$0xFFFFFF90] =	vst v0;
	v0 =	vnsel vm4, $0x0, v2  }
0x3e: {  	v9 =	vld.idx.msk [tilespmem:v9+s5+$0x0], vm6;
	vm4 =	vlt.s32 v14, $0xC300;
	v2 =	vnsel vm11, $0x0, v4;
	[tilespmem:s22+$0xFFFFFFA0] =	vst v0  }
0x3f: {  	v1 =	vld.idx.msk [tilespmem:v10+s5+$0x0], vm1;
	v0 =	vnsel vm12, $0x0, v3;
	[tilespmem:s22+$0xFFFFFFC0] =	vst v2  }
0x40: {  	v2 =	vnsel vm9, $0x0, v5;
	[tilespmem:s22+$0xFFFFFFB0] =	vst v0;
	v0 =	vld.idx.msk [tilespmem:v15+s5+$0x0], vm5  }
0x41: {  	v3 =	vnsel vm10, $0x0, v6;
	[tilespmem:s22+$0xFFFFFFD0] =	vst v2;
	v2 =	vld.idx.msk [tilespmem:v11+s5+$0x0], vm0  }
0x42: {  	v4 =	vnsel vm8, $0x0, v7;
	[tilespmem:s22+$0xFFFFFFE0] =	vst v3;
	v3 =	vld.idx.msk [tilespmem:v12+s5+$0x0], vm2  }
0x43: {  	[tilespmem:s22+$0xFFFFFFF0] =	vst v4;
	v5 =	vnsel vm7, $0x0, v8;
	v4 =	vld.idx.msk [tilespmem:v13+s5+$0x0], vm3  }
0x44: {  	s24 =	simm.s32 $0x18880;
	s23 =	simm.s32 $0x0;
	v6 =	vnsel vm6, $0x0, v9;
	[tilespmem:s22+$0x0] =	vst v5;
	v5 =	vld.idx.msk [tilespmem:v14+s5+$0x0], vm4  }
.LBB2_3:
0x45: {  	v7 =	vld [tilespmem:s24+$0x70];
	s23 =	sadd.s32 $0x10, s23;
	[tilespmem:s22+$0x10] =	vst v6;
	v1 =	vnsel vm1, $0x0, v1  }
0x46: {  	v0 =	vnsel vm5, $0x0, v0;
	v6 =	vld [tilespmem:s24+$0xFFFFFF90];
	p0 =	slt.u32 s23, $0x1F0;
	[tilespmem:s22+$0x20] =	vst v1  }
0x47: {  	v1 =	vld [tilespmem:s24+$0xFFFFFFA0];
	[tilespmem:s22+$0xFFFFFF80] =	vst v0;
	v0 =	vnsel vm0, $0x0, v2  }
0x48: {  	v2 =	vld [tilespmem:s24+$0xFFFFFFB0];
	[tilespmem:s22+$0x30] =	vst v0;
	v0 =	vnsel vm2, $0x0, v3  }
0x49: {  	v3 =	vld [tilespmem:s24+$0xFFFFFFC0];
	[tilespmem:s22+$0x40] =	vst v0;
	v0 =	vnsel vm3, $0x0, v4  }
0x4a: {  	v4 =	vld [tilespmem:s24+$0xFFFFFFD0];
	vm2 =	vlt.s32 v7, $0xC300;
	[tilespmem:s22+$0x50] =	vst v0;
	v0 =	vnsel vm4, $0x0, v5  }
0x4b: {  	vm13 =	vlt.s32 v6, $0xC300;
	v5 =	vld [tilespmem:s24+$0xFFFFFFE0];
	[tilespmem:s22+$0x60] =	vst v0  }
0x4c: {  	vm14 =	vlt.s32 v1, $0xC300;
	v0 =	vld [tilespmem:s24+$0xFFFFFFF0]  }
0x4d: {  	vm12 =	vlt.s32 v2, $0xC300;
	v8 =	vld [tilespmem:s24+$0x0]  }
0x4e: {  	vm11 =	vlt.s32 v3, $0xC300;
	v9 =	vld [tilespmem:s24+$0x10]  }
0x4f: {  	vm9 =	vlt.s32 v4, $0xC300;
	v10 =	vld [tilespmem:s24+$0x20]  }
0x50: {  	vm10 =	vlt.s32 v5, $0xC300;
	v7 =	vld.idx.msk [tilespmem:v7+s5+$0x0], vm2  }
0x51: {  	vm8 =	vlt.s32 v0, $0xC300;
	v11 =	vld [tilespmem:s24+$0x30]  }
0x52: {  	vm7 =	vlt.s32 v8, $0xC300;
	v12 =	vld [tilespmem:s24+$0x40]  }
0x53: {  	vm6 =	vlt.s32 v9, $0xC300;
	v13 =	vld [tilespmem:s24+$0x50]  }
0x54: {  	vm1 =	vlt.s32 v10, $0xC300;
	v14 =	vld [tilespmem:s24+$0x60]  }
0x55: {  	v15 =	vld [tilespmem:s24+$0xFFFFFF80]  }
0x56: {  	s22 =	sadd.s32 $0x100, s22;
	v7 =	vnsel vm2, $0x0, v7;
	v6 =	vld.idx.msk [tilespmem:v6+s5+$0x0], vm13;
	vm0 =	vlt.s32 v11, $0xC300  }
0x57: {  	v1 =	vld.idx.msk [tilespmem:v1+s5+$0x0], vm14;
	vm2 =	vlt.s32 v12, $0xC300;
	[tilespmem:s22+$0x70] =	vst v7  }
0x58: {  	v2 =	vld.idx.msk [tilespmem:v2+s5+$0x0], vm12;
	vm3 =	vlt.s32 v13, $0xC300  }
0x59: {  	v3 =	vld.idx.msk [tilespmem:v3+s5+$0x0], vm11;
	vm4 =	vlt.s32 v14, $0xC300  }
0x5a: {  	vm5 =	vlt.s32 v15, $0xC300;
	v4 =	vld.idx.msk [tilespmem:v4+s5+$0x0], vm9  }
0x5b: {  	v5 =	vld.idx.msk [tilespmem:v5+s5+$0x0], vm10  }
0x5c: {  	v6 =	vnsel vm13, $0x0, v6;
	v7 =	vld.idx.msk [tilespmem:v0+s5+$0x0], vm8  }
0x5d: {  	v0 =	vnsel vm14, $0x0, v1;
	[tilespmem:s22+$0xFFFFFF90] =	vst v6;
	v6 =	vld.idx.msk [tilespmem:v8+s5+$0x0], vm7  }
0x5e: {  	[tilespmem:s22+$0xFFFFFFA0] =	vst v0;
	v0 =	vnsel vm12, $0x0, v2;
	v8 =	vld.idx.msk [tilespmem:v9+s5+$0x0], vm6  }
0x5f: {  	v2 =	vnsel vm11, $0x0, v3;
	[tilespmem:s22+$0xFFFFFFB0] =	vst v0;
	v1 =	vld.idx.msk [tilespmem:v10+s5+$0x0], vm1  }
.Ltmp2:
0x60: {  	v0 =	vld.idx.msk [tilespmem:v15+s5+$0x0], vm5;
	[tilespmem:s22+$0xFFFFFFC0] =	vst v2;
	v2 =	vnsel vm9, $0x0, v4;
	(pc) =	sbr.rel @p0 .LBB2_3-.Ltmp2, $4  }
0x61: {  	v3 =	vnsel vm10, $0x0, v5;
	[tilespmem:s22+$0xFFFFFFD0] =	vst v2;
	v2 =	vld.idx.msk [tilespmem:v11+s5+$0x0], vm0  }
0x62: {  	v4 =	vnsel vm8, $0x0, v7;
	[tilespmem:s22+$0xFFFFFFE0] =	vst v3;
	v3 =	vld.idx.msk [tilespmem:v12+s5+$0x0], vm2  }
0x63: {  	v5 =	vnsel vm7, $0x0, v6;
	[tilespmem:s22+$0xFFFFFFF0] =	vst v4;
	v4 =	vld.idx.msk [tilespmem:v13+s5+$0x0], vm3  }
0x64: {  	s24 =	sadd.s32 $0x100, s24;
	v6 =	vnsel vm6, $0x0, v8;
	[tilespmem:s22+$0x0] =	vst v5;
	v5 =	vld.idx.msk [tilespmem:v14+s5+$0x0], vm4  }
0x65: {  	[tilespmem:s22+$0x10] =	vst v6;
	v1 =	vnsel vm1, $0x0, v1  }
0x66: {  	v0 =	vnsel vm5, $0x0, v0;
	[tilespmem:s22+$0x20] =	vst v1  }
0x67: {  	[tilespmem:s22+$0xFFFFFF80] =	vst v0;
	v0 =	vnsel vm0, $0x0, v2  }
0x68: {  	[tilespmem:s22+$0x30] =	vst v0;
	v0 =	vnsel vm2, $0x0, v3  }
0x69: {  	[tilespmem:s22+$0x40] =	vst v0;
	v0 =	vnsel vm3, $0x0, v4  }
0x6a: {  	[tilespmem:s22+$0x50] =	vst v0;
	v0 =	vnsel vm4, $0x0, v5  }
0x6b: {  	[tilespmem:s22+$0x60] =	vst v0  }
0x6c: {  	_ =	swait.ge [sflag:s17], $0xC400  }
0x6d: {  	[sflag:s17] =	ssyncset.done $0x0  }
0x6e: {  	s23 =	simm.s32 $0x0;
	[sflag:s17] =	ssyncadd.s32 $0xFFFF3C00  }
0x6f: {  	v0 =	vld [tilespmem:s23+$0x187F0]  }
0x70: {  	v1 =	vld [tilespmem:s23+$0x18700]  }
0x71: {  	v2 =	vld [tilespmem:s23+$0x18710]  }
0x72: {  	v3 =	vld [tilespmem:s23+$0x18720]  }
0x73: {  	v53 =	vld [tilespmem:s23+$0x18730]  }
0x74: {  	v54 =	vld [tilespmem:s23+$0x18740]  }
0x75: {  	v55 =	vld [tilespmem:s23+$0x18750]  }
0x76: {  	v7 =	vld [tilespmem:s23+$0x18760]  }
0x77: {  	v8 =	vld [tilespmem:s23+$0x18770]  }
0x78: {  	v9 =	vld [tilespmem:s23+$0x18780]  }
0x79: {  	v10 =	vld [tilespmem:s23+$0x18790];
	vm6 =	vgt.s32 v0, $0xC2FF  }
0x7a: {  	v11 =	vld [tilespmem:s23+$0x187A0];
	v0 =	vadd.s32 $0xFFFF3D00, v0;
	vm0 =	vgt.s32 v1, $0xC2FF  }
0x7b: {  	v12 =	vld [tilespmem:s23+$0x187B0];
	v1 =	vadd.s32 $0xFFFF3D00, v1;
	vm1 =	vgt.s32 v2, $0xC2FF  }
0x7c: {  	v13 =	vld [tilespmem:s23+$0x187C0];
	v2 =	vadd.s32 $0xFFFF3D00, v2;
	vm2 =	vgt.s32 v3, $0xC2FF  }
0x7d: {  	v14 =	vld [tilespmem:s23+$0x187D0];
	v3 =	vadd.s32 $0xFFFF3D00, v3;
	vm3 =	vgt.s32 v53, $0xC2FF  }
0x7e: {  	v15 =	vld [tilespmem:s23+$0x187E0];
	v4 =	vadd.s32 $0xFFFF3D00, v53;
	vm4 =	vgt.s32 v54, $0xC2FF  }
0x7f: {  	v5 =	vadd.s32 $0xFFFF3D00, v54;
	vm5 =	vgt.s32 v55, $0xC2FF;
	v0 =	vld.idx.msk [tilespmem:v0+s13+$0x0], vm6  }
0x80: {  	v6 =	vadd.s32 $0xFFFF3D00, v55;
	vm8 =	vgt.s32 v9, $0xC2FF;
	v1 =	vld.idx.msk [tilespmem:v1+s13+$0x0], vm0  }
0x81: {  	v57 =	vadd.s32 $0xFFFF3D00, v9;
	vm9 =	vgt.s32 v10, $0xC2FF;
	v2 =	vld.idx.msk [tilespmem:v2+s13+$0x0], vm1  }
0x82: {  	v58 =	vadd.s32 $0xFFFF3D00, v10;
	vm10 =	vgt.s32 v11, $0xC2FF;
	v3 =	vld.idx.msk [tilespmem:v3+s13+$0x0], vm2  }
0x83: {  	v59 =	vadd.s32 $0xFFFF3D00, v11;
	vm11 =	vgt.s32 v12, $0xC2FF;
	v4 =	vld.idx.msk [tilespmem:v4+s13+$0x0], vm3  }
0x84: {  	v60 =	vadd.s32 $0xFFFF3D00, v12;
	vm12 =	vgt.s32 v13, $0xC2FF;
	v5 =	vld.idx.msk [tilespmem:v5+s13+$0x0], vm4  }
0x85: {  	vm7 =	vgt.s32 v8, $0xC2FF;
	v61 =	vadd.s32 $0xFFFF3D00, v13;
	vm13 =	vgt.s32 v14, $0xC2FF;
	v6 =	vld.idx.msk [tilespmem:v6+s13+$0x0], vm5  }
0x86: {  	v56 =	vadd.s32 $0xFFFF3D00, v8;
	v62 =	vadd.s32 $0xFFFF3D00, v14;
	vm14 =	vgt.s32 v15, $0xC2FF;
	v8 =	vld.idx.msk [tilespmem:v57+s13+$0x0], vm8  }
0x87: {  	v63 =	vadd.s32 $0xFFFF3D00, v15;
	v9 =	vld.idx.msk [tilespmem:v58+s13+$0x0], vm9  }
0x88: {  	v10 =	vld.idx.msk [tilespmem:v59+s13+$0x0], vm10  }
0x89: {  	v11 =	vld.idx.msk [tilespmem:v60+s13+$0x0], vm11  }
0x8a: {  	v12 =	vld.idx.msk [tilespmem:v61+s13+$0x0], vm12  }
0x8b: {  	v13 =	vld.idx.msk [tilespmem:v62+s13+$0x0], vm13  }
0x8c: {  	v14 =	vld.idx.msk [tilespmem:v63+s13+$0x0], vm14;
	v0 =	vnsel vm6, $0x0, v0  }
0x8d: {  	[tilespmem:s23+$0x1C7F0] =	vst.add.f32.msk $0xffff, v0  }
0x8e: {  	vm6 =	vgt.s32 v7, $0xC2FF;
	v1 =	vnsel vm0, $0x0, v1;
	v0 =	vadd.s32 $0xFFFF3D00, v7;
	v7 =	vld.idx.msk [tilespmem:v56+s13+$0x0], vm7  }
0x8f: {  	v2 =	vnsel vm1, $0x0, v2;
	[tilespmem:s23+$0x1C700] =	vst.add.f32.msk $0xffff, v1  }
0x90: {  	v1 =	vnsel vm2, $0x0, v3;
	[tilespmem:s23+$0x1C710] =	vst.add.f32.msk $0xffff, v2  }
0x91: {  	v2 =	vnsel vm3, $0x0, v4;
	[tilespmem:s23+$0x1C720] =	vst.add.f32.msk $0xffff, v1  }
0x92: {  	v1 =	vnsel vm4, $0x0, v5;
	[tilespmem:s23+$0x1C730] =	vst.add.f32.msk $0xffff, v2  }
0x93: {  	[tilespmem:s23+$0x1C740] =	vst.add.f32.msk $0xffff, v1  }
0x94: {  	v2 =	vnsel vm5, $0x0, v6;
	v0 =	vld.idx.msk [tilespmem:v0+s13+$0x0], vm6  }
0x95: {  	[tilespmem:s23+$0x1C750] =	vst.add.f32.msk $0xffff, v2;
	v1 =	vnsel vm7, $0x0, v7  }
0x96: {  	[tilespmem:s23+$0x1C770] =	vst.add.f32.msk $0xffff, v1;
	v1 =	vnsel vm9, $0x0, v9  }
0x97: {  	[tilespmem:s23+$0x1C790] =	vst.add.f32.msk $0xffff, v1;
	v1 =	vnsel vm11, $0x0, v11  }
0x98: {  	[tilespmem:s23+$0x1C7B0] =	vst.add.f32.msk $0xffff, v1;
	v1 =	vnsel vm13, $0x0, v13  }
0x99: {  	[tilespmem:s23+$0x1C7D0] =	vst.add.f32.msk $0xffff, v1;
	v0 =	vnsel vm6, $0x0, v0  }
0x9a: {  	[tilespmem:s23+$0x1C760] =	vst.add.f32.msk $0xffff, v0;
	v0 =	vnsel vm8, $0x0, v8  }
0x9b: {  	[tilespmem:s23+$0x1C780] =	vst.add.f32.msk $0xffff, v0;
	v0 =	vnsel vm10, $0x0, v10  }
0x9c: {  	[tilespmem:s23+$0x1C7A0] =	vst.add.f32.msk $0xffff, v0;
	v0 =	vnsel vm12, $0x0, v12  }
0x9d: {  	s24 =	simm.s32 $0x400;
	s22 =	simm.s32 $0x0;
	[tilespmem:s23+$0x1C7C0] =	vst.add.f32.msk $0xffff, v0;
	v0 =	vnsel vm14, $0x0, v14  }
.LBB2_5:
0x9e: {  	s22 =	sadd.s32 $0x10, s22;
	[tilespmem:s23+$0x1C7E0] =	vst.add.f32.msk $0xffff, v0;
	s23 =	sshra.s32 s24, $0x2  }
0x9f: {  	v0 =	vld [tilespmem:s23+$0x187F0];
	p0 =	slt.u32 s22, $0x1F0  }
0xa0: {  	v1 =	vld [tilespmem:s23+$0x18700]  }
0xa1: {  	v2 =	vld [tilespmem:s23+$0x18710]  }
0xa2: {  	v3 =	vld [tilespmem:s23+$0x18720]  }
0xa3: {  	v4 =	vld [tilespmem:s23+$0x18730]  }
0xa4: {  	v5 =	vld [tilespmem:s23+$0x18740];
	vm11 =	vgt.s32 v0, $0xC2FF  }
0xa5: {  	v0 =	vadd.s32 $0xFFFF3D00, v0;
	vm0 =	vgt.s32 v1, $0xC2FF;
	v1 =	vadd.s32 $0xFFFF3D00, v1;
	v6 =	vld [tilespmem:s23+$0x18750]  }
0xa6: {  	vm1 =	vgt.s32 v2, $0xC2FF;
	v2 =	vadd.s32 $0xFFFF3D00, v2;
	v7 =	vld [tilespmem:s23+$0x18760]  }
0xa7: {  	vm2 =	vgt.s32 v3, $0xC2FF;
	v3 =	vadd.s32 $0xFFFF3D00, v3;
	v8 =	vld [tilespmem:s23+$0x18770]  }
0xa8: {  	vm3 =	vgt.s32 v4, $0xC2FF;
	v4 =	vadd.s32 $0xFFFF3D00, v4;
	v9 =	vld [tilespmem:s23+$0x18780]  }
0xa9: {  	vm4 =	vgt.s32 v5, $0xC2FF;
	v5 =	vadd.s32 $0xFFFF3D00, v5;
	v10 =	vld [tilespmem:s23+$0x18790]  }
0xaa: {  	vm5 =	vgt.s32 v6, $0xC2FF;
	v6 =	vadd.s32 $0xFFFF3D00, v6;
	v0 =	vld.idx.msk [tilespmem:v0+s13+$0x0], vm11  }
0xab: {  	vm6 =	vgt.s32 v7, $0xC2FF;
	v7 =	vadd.s32 $0xFFFF3D00, v7;
	v11 =	vld [tilespmem:s23+$0x187A0]  }
0xac: {  	vm7 =	vgt.s32 v8, $0xC2FF;
	v8 =	vadd.s32 $0xFFFF3D00, v8;
	v12 =	vld [tilespmem:s23+$0x187B0]  }
0xad: {  	vm8 =	vgt.s32 v9, $0xC2FF;
	v9 =	vadd.s32 $0xFFFF3D00, v9;
	v13 =	vld [tilespmem:s23+$0x187C0]  }
0xae: {  	vm9 =	vgt.s32 v10, $0xC2FF;
	v10 =	vadd.s32 $0xFFFF3D00, v10;
	v14 =	vld [tilespmem:s23+$0x187D0]  }
0xaf: {  	v15 =	vld [tilespmem:s23+$0x187E0]  }
0xb0: {  	v0 =	vnsel vm11, $0x0, v0;
	v1 =	vld.idx.msk [tilespmem:v1+s13+$0x0], vm0;
	vm10 =	vgt.s32 v11, $0xC2FF;
	v11 =	vadd.s32 $0xFFFF3D00, v11  }
0xb1: {  	vm11 =	vgt.s32 v12, $0xC2FF;
	v12 =	vadd.s32 $0xFFFF3D00, v12;
	[tilespmem:s23+$0x1C7F0] =	vst.add.f32.msk $0xffff, v0  }
0xb2: {  	v0 =	vld.idx.msk [tilespmem:v2+s13+$0x0], vm1;
	vm12 =	vgt.s32 v13, $0xC2FF;
	v2 =	vadd.s32 $0xFFFF3D00, v13  }
0xb3: {  	v3 =	vld.idx.msk [tilespmem:v3+s13+$0x0], vm2;
	vm13 =	vgt.s32 v14, $0xC2FF;
	v13 =	vadd.s32 $0xFFFF3D00, v14  }
0xb4: {  	v4 =	vld.idx.msk [tilespmem:v4+s13+$0x0], vm3;
	vm14 =	vgt.s32 v15, $0xC2FF;
	v14 =	vadd.s32 $0xFFFF3D00, v15  }
0xb5: {  	v5 =	vld.idx.msk [tilespmem:v5+s13+$0x0], vm4  }
0xb6: {  	v1 =	vnsel vm0, $0x0, v1;
	v6 =	vld.idx.msk [tilespmem:v6+s13+$0x0], vm5  }
0xb7: {  	v7 =	vld.idx.msk [tilespmem:v7+s13+$0x0], vm6  }
0xb8: {  	v0 =	vnsel vm1, $0x0, v0;
	v8 =	vld.idx.msk [tilespmem:v8+s13+$0x0], vm7  }
0xb9: {  	v3 =	vnsel vm2, $0x0, v3;
	v9 =	vld.idx.msk [tilespmem:v9+s13+$0x0], vm8  }
0xba: {  	v4 =	vnsel vm3, $0x0, v4;
	v10 =	vld.idx.msk [tilespmem:v10+s13+$0x0], vm9  }
0xbb: {  	v5 =	vnsel vm4, $0x0, v5;
	v11 =	vld.idx.msk [tilespmem:v11+s13+$0x0], vm10  }
0xbc: {  	v6 =	vnsel vm5, $0x0, v6;
	v12 =	vld.idx.msk [tilespmem:v12+s13+$0x0], vm11  }
0xbd: {  	v7 =	vnsel vm6, $0x0, v7;
	v2 =	vld.idx.msk [tilespmem:v2+s13+$0x0], vm12  }
0xbe: {  	v8 =	vnsel vm7, $0x0, v8;
	v13 =	vld.idx.msk [tilespmem:v13+s13+$0x0], vm13  }
0xbf: {  	v9 =	vnsel vm8, $0x0, v9;
	v14 =	vld.idx.msk [tilespmem:v14+s13+$0x0], vm14  }
0xc0: {  	[tilespmem:s23+$0x1C700] =	vst.add.f32.msk $0xffff, v1;
	v1 =	vnsel vm9, $0x0, v10  }
0xc1: {  	v10 =	vnsel vm10, $0x0, v11;
	[tilespmem:s23+$0x1C710] =	vst.add.f32.msk $0xffff, v0  }
0xc2: {  	[tilespmem:s23+$0x1C720] =	vst.add.f32.msk $0xffff, v3;
	v3 =	vnsel vm11, $0x0, v12  }
0xc3: {  	v2 =	vnsel vm12, $0x0, v2;
	[tilespmem:s23+$0x1C730] =	vst.add.f32.msk $0xffff, v4  }
0xc4: {  	v4 =	vnsel vm13, $0x0, v13;
	[tilespmem:s23+$0x1C740] =	vst.add.f32.msk $0xffff, v5  }
0xc5: {  	v0 =	vnsel vm14, $0x0, v14;
	[tilespmem:s23+$0x1C750] =	vst.add.f32.msk $0xffff, v6  }
0xc6: {  	[tilespmem:s23+$0x1C760] =	vst.add.f32.msk $0xffff, v7  }
0xc7: {  	[tilespmem:s23+$0x1C770] =	vst.add.f32.msk $0xffff, v8  }
0xc8: {  	[tilespmem:s23+$0x1C780] =	vst.add.f32.msk $0xffff, v9  }
.Ltmp3:
0xc9: {  	[tilespmem:s23+$0x1C790] =	vst.add.f32.msk $0xffff, v1;
	(pc) =	sbr.rel @p0 .LBB2_5-.Ltmp3, $4  }
0xca: {  	[tilespmem:s23+$0x1C7A0] =	vst.add.f32.msk $0xffff, v10  }
0xcb: {  	[tilespmem:s23+$0x1C7B0] =	vst.add.f32.msk $0xffff, v3  }
0xcc: {  	[tilespmem:s23+$0x1C7C0] =	vst.add.f32.msk $0xffff, v2  }
0xcd: {  	s24 =	sadd.s32 $0x400, s24;
	[tilespmem:s23+$0x1C7D0] =	vst.add.f32.msk $0xffff, v4  }
0xce: {  	s22 =	sshll.u32 s21, $0x4;
	s24 =	sshll.u32 s21, $0xB  }
0xcf: {  	s22 =	sand.u32 $0x70, s22;
	s24 =	sand.u32 $0xFFFC000, s24  }
0xd0: {  	s22 =	sor.u32 s22, s24  }
0xd1: {  	[tilespmem:s23+$0x1C7E0] =	vst.add.f32.msk $0xffff, v0;
	s30 =	sadd.s32 s6, s22  }
0xd2: {  	[hbm4b:s30+s11] =	stream.strided.scatter [tilespmem:s18], [sflag:$0x3], $0x2000, s12, s11, $0x38;
	[tilespmem:$0x1E700] =	vst v63  }
0xd3: {  	_ =	swait.ge [sflag:s15], $0x2000  }
0xd4: {  	[sflag:s15] =	ssyncset.done $0x0  }
0xd5: {  	s31 =	simm.s32 $0x1A7F0;
	[sflag:s15] =	ssyncadd.s32 $0xFFFFE000  }
0xd6: {  	v0 =	vld [tilespmem:s31+$0x0]  }
0xd7: {  	v1 =	vld [tilespmem:s31+$0xFFFFFF20]  }
0xd8: {  	v2 =	vld [tilespmem:s31+$0xFFFFFF30]  }
0xd9: {  	v3 =	vld [tilespmem:s31+$0xFFFFFF40]  }
0xda: {  	v4 =	vld [tilespmem:s31+$0xFFFFFF50]  }
0xdb: {  	v5 =	vld [tilespmem:s31+$0xFFFFFF60]  }
0xdc: {  	v6 =	vld [tilespmem:s31+$0xFFFFFF70]  }
0xdd: {  	v7 =	vld [tilespmem:s31+$0xFFFFFF80]  }
0xde: {  	v8 =	vld [tilespmem:s31+$0xFFFFFF90]  }
0xdf: {  	v9 =	vld [tilespmem:s31+$0xFFFFFFA0]  }
0xe0: {  	v10 =	vld [tilespmem:s31+$0xFFFFFFB0];
	vm1 =	vlt.s32 v0, $0xC300  }
0xe1: {  	v11 =	vld [tilespmem:s31+$0xFFFFFFC0];
	vm2 =	vlt.s32 v1, $0xC300  }
0xe2: {  	v12 =	vld [tilespmem:s31+$0xFFFFFFD0];
	vm12 =	vlt.s32 v2, $0xC300  }
0xe3: {  	v13 =	vld [tilespmem:s31+$0xFFFFFFE0];
	vm11 =	vlt.s32 v4, $0xC300  }
0xe4: {  	v14 =	vld [tilespmem:s31+$0xFFFFFFF0];
	vm13 =	vlt.s32 v3, $0xC300  }
0xe5: {  	v15 =	vld [tilespmem:s31+$0xFFFFFF10];
	vm9 =	vlt.s32 v5, $0xC300  }
0xe6: {  	vm10 =	vlt.s32 v6, $0xC300;
	v0 =	vld.idx.msk [tilespmem:v0+s5+$0x0], vm1  }
0xe7: {  	vm8 =	vlt.s32 v7, $0xC300;
	v1 =	vld.idx.msk [tilespmem:v1+s5+$0x0], vm2  }
0xe8: {  	vm7 =	vlt.s32 v8, $0xC300;
	v2 =	vld.idx.msk [tilespmem:v2+s5+$0x0], vm12  }
0xe9: {  	vm6 =	vlt.s32 v9, $0xC300;
	v4 =	vld.idx.msk [tilespmem:v4+s5+$0x0], vm11  }
0xea: {  	vm4 =	vlt.s32 v10, $0xC300;
	v3 =	vld.idx.msk [tilespmem:v3+s5+$0x0], vm13  }
0xeb: {  	vm0 =	vlt.s32 v11, $0xC300;
	v16 =	vld.idx.msk [tilespmem:v5+s5+$0x0], vm9  }
0xec: {  	s23 =	simm.s32 $0x1C780;
	vm5 =	vlt.s32 v15, $0xC300;
	v6 =	vld.idx.msk [tilespmem:v6+s5+$0x0], vm10;
	v0 =	vnsel vm1, $0x0, v0  }
0xed: {  	vm3 =	vlt.s32 v13, $0xC300;
	v7 =	vld.idx.msk [tilespmem:v7+s5+$0x0], vm8;
	[tilespmem:s23+$0x70] =	vst v0;
	v0 =	vnsel vm2, $0x0, v1  }
0xee: {  	v8 =	vld.idx.msk [tilespmem:v8+s5+$0x0], vm7;
	vm1 =	vlt.s32 v12, $0xC300;
	v1 =	vnsel vm11, $0x0, v4;
	[tilespmem:s23+$0xFFFFFF90] =	vst v0  }
0xef: {  	v9 =	vld.idx.msk [tilespmem:v9+s5+$0x0], vm6;
	vm2 =	vlt.s32 v14, $0xC300;
	v0 =	vnsel vm12, $0x0, v2;
	[tilespmem:s23+$0xFFFFFFC0] =	vst v1  }
0xf0: {  	v5 =	vld.idx.msk [tilespmem:v10+s5+$0x0], vm4;
	v1 =	vnsel vm9, $0x0, v16;
	[tilespmem:s23+$0xFFFFFFA0] =	vst v0  }
0xf1: {  	v0 =	vnsel vm13, $0x0, v3;
	[tilespmem:s23+$0xFFFFFFD0] =	vst v1;
	v1 =	vld.idx.msk [tilespmem:v11+s5+$0x0], vm0  }
0xf2: {  	v3 =	vnsel vm8, $0x0, v7;
	[tilespmem:s23+$0xFFFFFFB0] =	vst v0;
	v0 =	vld.idx.msk [tilespmem:v15+s5+$0x0], vm5  }
0xf3: {  	v2 =	vnsel vm10, $0x0, v6;
	[tilespmem:s23+$0xFFFFFFF0] =	vst v3;
	v3 =	vld.idx.msk [tilespmem:v13+s5+$0x0], vm3  }
0xf4: {  	v4 =	vnsel vm7, $0x0, v8;
	[tilespmem:s23+$0xFFFFFFE0] =	vst v2;
	v2 =	vld.idx.msk [tilespmem:v12+s5+$0x0], vm1  }
0xf5: {  	s25 =	simm.s32 $0x1A8F0;
	s24 =	simm.s32 $0x0;
	[tilespmem:s23+$0x0] =	vst v4;
	v6 =	vnsel vm6, $0x0, v9;
	v4 =	vld.idx.msk [tilespmem:v14+s5+$0x0], vm2  }
.LBB2_7:
0xf6: {  	v7 =	vld [tilespmem:s25+$0x0];
	s24 =	sadd.s32 $0x10, s24;
	[tilespmem:s23+$0x10] =	vst v6;
	v5 =	vnsel vm4, $0x0, v5  }
0xf7: {  	v0 =	vnsel vm5, $0x0, v0;
	v6 =	vld [tilespmem:s25+$0xFFFFFF20];
	p0 =	slt.u32 s24, $0x1F0;
	[tilespmem:s23+$0x20] =	vst v5  }
0xf8: {  	v5 =	vld [tilespmem:s25+$0xFFFFFF30];
	[tilespmem:s23+$0xFFFFFF80] =	vst v0;
	v0 =	vnsel vm0, $0x0, v1  }
0xf9: {  	v1 =	vld [tilespmem:s25+$0xFFFFFF40];
	[tilespmem:s23+$0x30] =	vst v0;
	v0 =	vnsel vm1, $0x0, v2  }
0xfa: {  	v2 =	vld [tilespmem:s25+$0xFFFFFF50];
	[tilespmem:s23+$0x40] =	vst v0;
	v0 =	vnsel vm3, $0x0, v3  }
0xfb: {  	v3 =	vld [tilespmem:s25+$0xFFFFFF60];
	vm1 =	vlt.s32 v7, $0xC300;
	[tilespmem:s23+$0x50] =	vst v0;
	v0 =	vnsel vm2, $0x0, v4  }
0xfc: {  	vm13 =	vlt.s32 v6, $0xC300;
	v4 =	vld [tilespmem:s25+$0xFFFFFF70];
	[tilespmem:s23+$0x60] =	vst v0  }
0xfd: {  	vm14 =	vlt.s32 v5, $0xC300;
	v0 =	vld [tilespmem:s25+$0xFFFFFF80]  }
0xfe: {  	vm12 =	vlt.s32 v1, $0xC300;
	v8 =	vld [tilespmem:s25+$0xFFFFFF90]  }
0xff: {  	vm11 =	vlt.s32 v2, $0xC300;
	v9 =	vld [tilespmem:s25+$0xFFFFFFA0]  }
0x100: {  	vm9 =	vlt.s32 v3, $0xC300;
	v10 =	vld [tilespmem:s25+$0xFFFFFFB0]  }
0x101: {  	vm10 =	vlt.s32 v4, $0xC300;
	v7 =	vld.idx.msk [tilespmem:v7+s5+$0x0], vm1  }
0x102: {  	vm8 =	vlt.s32 v0, $0xC300;
	v11 =	vld [tilespmem:s25+$0xFFFFFFC0]  }
0x103: {  	vm7 =	vlt.s32 v8, $0xC300;
	v12 =	vld [tilespmem:s25+$0xFFFFFFD0]  }
0x104: {  	vm6 =	vlt.s32 v9, $0xC300;
	v13 =	vld [tilespmem:s25+$0xFFFFFFE0]  }
0x105: {  	vm4 =	vlt.s32 v10, $0xC300;
	v14 =	vld [tilespmem:s25+$0xFFFFFFF0]  }
0x106: {  	v15 =	vld [tilespmem:s25+$0xFFFFFF10]  }
0x107: {  	s23 =	sadd.s32 $0x100, s23;
	v7 =	vnsel vm1, $0x0, v7;
	v6 =	vld.idx.msk [tilespmem:v6+s5+$0x0], vm13;
	vm0 =	vlt.s32 v11, $0xC300  }
0x108: {  	v5 =	vld.idx.msk [tilespmem:v5+s5+$0x0], vm14;
	vm1 =	vlt.s32 v12, $0xC300;
	[tilespmem:s23+$0x70] =	vst v7  }
0x109: {  	v1 =	vld.idx.msk [tilespmem:v1+s5+$0x0], vm12;
	vm3 =	vlt.s32 v13, $0xC300  }
0x10a: {  	v2 =	vld.idx.msk [tilespmem:v2+s5+$0x0], vm11;
	vm2 =	vlt.s32 v14, $0xC300  }
0x10b: {  	vm5 =	vlt.s32 v15, $0xC300;
	v3 =	vld.idx.msk [tilespmem:v3+s5+$0x0], vm9  }
0x10c: {  	v4 =	vld.idx.msk [tilespmem:v4+s5+$0x0], vm10  }
0x10d: {  	v6 =	vnsel vm13, $0x0, v6;
	v7 =	vld.idx.msk [tilespmem:v0+s5+$0x0], vm8  }
0x10e: {  	v0 =	vnsel vm14, $0x0, v5;
	[tilespmem:s23+$0xFFFFFF90] =	vst v6;
	v6 =	vld.idx.msk [tilespmem:v8+s5+$0x0], vm7  }
0x10f: {  	[tilespmem:s23+$0xFFFFFFA0] =	vst v0;
	v0 =	vnsel vm12, $0x0, v1;
	v8 =	vld.idx.msk [tilespmem:v9+s5+$0x0], vm6  }
0x110: {  	v1 =	vnsel vm11, $0x0, v2;
	[tilespmem:s23+$0xFFFFFFB0] =	vst v0;
	v5 =	vld.idx.msk [tilespmem:v10+s5+$0x0], vm4  }
.Ltmp4:
0x111: {  	v0 =	vld.idx.msk [tilespmem:v15+s5+$0x0], vm5;
	[tilespmem:s23+$0xFFFFFFC0] =	vst v1;
	v1 =	vnsel vm9, $0x0, v3;
	(pc) =	sbr.rel @p0 .LBB2_7-.Ltmp4, $4  }
0x112: {  	v2 =	vnsel vm10, $0x0, v4;
	[tilespmem:s23+$0xFFFFFFD0] =	vst v1;
	v1 =	vld.idx.msk [tilespmem:v11+s5+$0x0], vm0  }
0x113: {  	v3 =	vnsel vm8, $0x0, v7;
	[tilespmem:s23+$0xFFFFFFE0] =	vst v2;
	v2 =	vld.idx.msk [tilespmem:v12+s5+$0x0], vm1  }
0x114: {  	v4 =	vnsel vm7, $0x0, v6;
	[tilespmem:s23+$0xFFFFFFF0] =	vst v3;
	v3 =	vld.idx.msk [tilespmem:v13+s5+$0x0], vm3  }
0x115: {  	s25 =	sadd.s32 $0x100, s25;
	v6 =	vnsel vm6, $0x0, v8;
	[tilespmem:s23+$0x0] =	vst v4;
	v4 =	vld.idx.msk [tilespmem:v14+s5+$0x0], vm2  }
0x116: {  	p0 =	seq.s32 s20, $0x19  }
0x117: {  	[tilespmem:s23+$0x10] =	vst v6;
	v5 =	vnsel vm4, $0x0, v5;
	s24 =	sadd.s32 @!p0 $0x1, s21  }
0x118: {  	v0 =	vnsel vm5, $0x0, v0;
	[tilespmem:s23+$0x20] =	vst v5;
	s25 =	sshrl.u32 @!p0 s24, $0x3  }
0x119: {  	[tilespmem:s23+$0xFFFFFF80] =	vst v0;
	v0 =	vnsel vm0, $0x0, v1;
	s24 =	sshll.u32 @!p0 s24, $0x7;
	s25 =	smul.u32 @!p0 $0xC3800, s25  }
0x11a: {  	[tilespmem:s23+$0x30] =	vst v0;
	v0 =	vnsel vm1, $0x0, v2;
	s24 =	sand.u32 @!p0 $0x380, s24  }
0x11b: {  	[tilespmem:s23+$0x40] =	vst v0;
	v0 =	vnsel vm3, $0x0, v3;
	s24 =	sor.u32 @!p0 s24, s25  }
0x11c: {  	s26 =	simm.s32 @!p0 $0x0;
	[tilespmem:s23+$0x50] =	vst v0;
	v0 =	vnsel vm2, $0x0, v4;
	s24 =	sshrl.u32 @!p0 s24, $0x3  }
0x11d: {  	[tilespmem:s23+$0x60] =	vst v0;
	s23 =	simm.s32 @!p0 $0x80;
	s25 =	simm.s32 @!p0 $0x400;
	s24 =	sadd.s32 @!p0 s2, s24  }
0x11e: {  	[tilespmem:s26], [sflag:$0x1] =	stream.strided.gather @!p0 [hbm4b:s24+s23], $0xC300, s25, s23, $0x38;
	[tilespmem:$0x1E700] =	vst v63  }
0x11f: {  	s23 =	simm.s32 $0x0  }
0x120: {  	v0 =	vld [tilespmem:s23+$0x1A7F0]  }
0x121: {  	v1 =	vld [tilespmem:s23+$0x1A700]  }
0x122: {  	v2 =	vld [tilespmem:s23+$0x1A710]  }
0x123: {  	v3 =	vld [tilespmem:s23+$0x1A720]  }
0x124: {  	v55 =	vld [tilespmem:s23+$0x1A730]  }
0x125: {  	v5 =	vld [tilespmem:s23+$0x1A740]  }
0x126: {  	v6 =	vld [tilespmem:s23+$0x1A750]  }
0x127: {  	v7 =	vld [tilespmem:s23+$0x1A760]  }
0x128: {  	v8 =	vld [tilespmem:s23+$0x1A770]  }
0x129: {  	v9 =	vld [tilespmem:s23+$0x1A780]  }
0x12a: {  	v10 =	vld [tilespmem:s23+$0x1A790];
	vm6 =	vgt.s32 v0, $0xC2FF  }
0x12b: {  	v11 =	vld [tilespmem:s23+$0x1A7A0];
	v0 =	vadd.s32 $0xFFFF3D00, v0;
	vm0 =	vgt.s32 v1, $0xC2FF  }
0x12c: {  	v12 =	vld [tilespmem:s23+$0x1A7B0];
	v1 =	vadd.s32 $0xFFFF3D00, v1;
	vm1 =	vgt.s32 v2, $0xC2FF  }
0x12d: {  	v13 =	vld [tilespmem:s23+$0x1A7C0];
	v2 =	vadd.s32 $0xFFFF3D00, v2;
	vm2 =	vgt.s32 v3, $0xC2FF  }
0x12e: {  	v14 =	vld [tilespmem:s23+$0x1A7D0];
	v3 =	vadd.s32 $0xFFFF3D00, v3;
	vm3 =	vgt.s32 v55, $0xC2FF  }
0x12f: {  	v15 =	vld [tilespmem:s23+$0x1A7E0];
	v4 =	vadd.s32 $0xFFFF3D00, v55;
	vm4 =	vgt.s32 v5, $0xC2FF  }
0x130: {  	v5 =	vadd.s32 $0xFFFF3D00, v5;
	vm5 =	vgt.s32 v6, $0xC2FF;
	v0 =	vld.idx.msk [tilespmem:v0+s13+$0x0], vm6  }
0x131: {  	v6 =	vadd.s32 $0xFFFF3D00, v6;
	vm8 =	vgt.s32 v9, $0xC2FF;
	v1 =	vld.idx.msk [tilespmem:v1+s13+$0x0], vm0  }
0x132: {  	v57 =	vadd.s32 $0xFFFF3D00, v9;
	vm9 =	vgt.s32 v10, $0xC2FF;
	v2 =	vld.idx.msk [tilespmem:v2+s13+$0x0], vm1  }
0x133: {  	v58 =	vadd.s32 $0xFFFF3D00, v10;
	vm10 =	vgt.s32 v11, $0xC2FF;
	v3 =	vld.idx.msk [tilespmem:v3+s13+$0x0], vm2  }
0x134: {  	v59 =	vadd.s32 $0xFFFF3D00, v11;
	vm11 =	vgt.s32 v12, $0xC2FF;
	v4 =	vld.idx.msk [tilespmem:v4+s13+$0x0], vm3  }
0x135: {  	v60 =	vadd.s32 $0xFFFF3D00, v12;
	vm12 =	vgt.s32 v13, $0xC2FF;
	v5 =	vld.idx.msk [tilespmem:v5+s13+$0x0], vm4  }
0x136: {  	vm7 =	vgt.s32 v8, $0xC2FF;
	v61 =	vadd.s32 $0xFFFF3D00, v13;
	vm13 =	vgt.s32 v14, $0xC2FF;
	v6 =	vld.idx.msk [tilespmem:v6+s13+$0x0], vm5  }
0x137: {  	v56 =	vadd.s32 $0xFFFF3D00, v8;
	v62 =	vadd.s32 $0xFFFF3D00, v14;
	vm14 =	vgt.s32 v15, $0xC2FF;
	v8 =	vld.idx.msk [tilespmem:v57+s13+$0x0], vm8  }
0x138: {  	v63 =	vadd.s32 $0xFFFF3D00, v15;
	v9 =	vld.idx.msk [tilespmem:v58+s13+$0x0], vm9  }
0x139: {  	v10 =	vld.idx.msk [tilespmem:v59+s13+$0x0], vm10  }
0x13a: {  	v11 =	vld.idx.msk [tilespmem:v60+s13+$0x0], vm11  }
0x13b: {  	v12 =	vld.idx.msk [tilespmem:v61+s13+$0x0], vm12  }
0x13c: {  	v13 =	vld.idx.msk [tilespmem:v62+s13+$0x0], vm13  }
0x13d: {  	v14 =	vld.idx.msk [tilespmem:v63+s13+$0x0], vm14;
	v0 =	vnsel vm6, $0x0, v0  }
0x13e: {  	[tilespmem:s23+$0x1C7F0] =	vst.add.f32.msk $0xffff, v0  }
0x13f: {  	vm6 =	vgt.s32 v7, $0xC2FF;
	v1 =	vnsel vm0, $0x0, v1;
	v0 =	vadd.s32 $0xFFFF3D00, v7;
	v7 =	vld.idx.msk [tilespmem:v56+s13+$0x0], vm7  }
0x140: {  	v2 =	vnsel vm1, $0x0, v2;
	[tilespmem:s23+$0x1C700] =	vst.add.f32.msk $0xffff, v1  }
0x141: {  	v1 =	vnsel vm2, $0x0, v3;
	[tilespmem:s23+$0x1C710] =	vst.add.f32.msk $0xffff, v2  }
0x142: {  	v2 =	vnsel vm3, $0x0, v4;
	[tilespmem:s23+$0x1C720] =	vst.add.f32.msk $0xffff, v1  }
0x143: {  	v1 =	vnsel vm4, $0x0, v5;
	[tilespmem:s23+$0x1C730] =	vst.add.f32.msk $0xffff, v2  }
0x144: {  	[tilespmem:s23+$0x1C740] =	vst.add.f32.msk $0xffff, v1  }
0x145: {  	v2 =	vnsel vm5, $0x0, v6;
	v0 =	vld.idx.msk [tilespmem:v0+s13+$0x0], vm6  }
0x146: {  	[tilespmem:s23+$0x1C750] =	vst.add.f32.msk $0xffff, v2;
	v1 =	vnsel vm7, $0x0, v7  }
0x147: {  	[tilespmem:s23+$0x1C770] =	vst.add.f32.msk $0xffff, v1;
	v1 =	vnsel vm9, $0x0, v9  }
0x148: {  	[tilespmem:s23+$0x1C790] =	vst.add.f32.msk $0xffff, v1;
	v1 =	vnsel vm11, $0x0, v11  }
0x149: {  	[tilespmem:s23+$0x1C7B0] =	vst.add.f32.msk $0xffff, v1;
	v1 =	vnsel vm13, $0x0, v13  }
0x14a: {  	[tilespmem:s23+$0x1C7D0] =	vst.add.f32.msk $0xffff, v1;
	v0 =	vnsel vm6, $0x0, v0  }
0x14b: {  	[tilespmem:s23+$0x1C760] =	vst.add.f32.msk $0xffff, v0;
	v0 =	vnsel vm8, $0x0, v8  }
0x14c: {  	[tilespmem:s23+$0x1C780] =	vst.add.f32.msk $0xffff, v0;
	v0 =	vnsel vm10, $0x0, v10  }
0x14d: {  	[tilespmem:s23+$0x1C7A0] =	vst.add.f32.msk $0xffff, v0;
	v0 =	vnsel vm12, $0x0, v12  }
0x14e: {  	s24 =	simm.s32 $0x0;
	s25 =	simm.s32 $0x400;
	[tilespmem:s23+$0x1C7C0] =	vst.add.f32.msk $0xffff, v0;
	v0 =	vnsel vm14, $0x0, v14  }
.LBB2_9:
0x14f: {  	s24 =	sadd.s32 $0x10, s24;
	[tilespmem:s23+$0x1C7E0] =	vst.add.f32.msk $0xffff, v0;
	s23 =	sshra.s32 s25, $0x2  }
0x150: {  	v0 =	vld [tilespmem:s23+$0x1A7F0];
	p1 =	slt.u32 s24, $0x1F0  }
0x151: {  	v1 =	vld [tilespmem:s23+$0x1A700]  }
0x152: {  	v2 =	vld [tilespmem:s23+$0x1A710]  }
0x153: {  	v3 =	vld [tilespmem:s23+$0x1A720]  }
0x154: {  	v4 =	vld [tilespmem:s23+$0x1A730]  }
0x155: {  	v5 =	vld [tilespmem:s23+$0x1A740];
	vm11 =	vgt.s32 v0, $0xC2FF  }
0x156: {  	v0 =	vadd.s32 $0xFFFF3D00, v0;
	vm0 =	vgt.s32 v1, $0xC2FF;
	v1 =	vadd.s32 $0xFFFF3D00, v1;
	v6 =	vld [tilespmem:s23+$0x1A750]  }
0x157: {  	vm1 =	vgt.s32 v2, $0xC2FF;
	v2 =	vadd.s32 $0xFFFF3D00, v2;
	v7 =	vld [tilespmem:s23+$0x1A760]  }
0x158: {  	vm2 =	vgt.s32 v3, $0xC2FF;
	v3 =	vadd.s32 $0xFFFF3D00, v3;
	v8 =	vld [tilespmem:s23+$0x1A770]  }
0x159: {  	vm3 =	vgt.s32 v4, $0xC2FF;
	v4 =	vadd.s32 $0xFFFF3D00, v4;
	v9 =	vld [tilespmem:s23+$0x1A780]  }
0x15a: {  	vm4 =	vgt.s32 v5, $0xC2FF;
	v5 =	vadd.s32 $0xFFFF3D00, v5;
	v10 =	vld [tilespmem:s23+$0x1A790]  }
0x15b: {  	vm5 =	vgt.s32 v6, $0xC2FF;
	v6 =	vadd.s32 $0xFFFF3D00, v6;
	v0 =	vld.idx.msk [tilespmem:v0+s13+$0x0], vm11  }
0x15c: {  	vm6 =	vgt.s32 v7, $0xC2FF;
	v7 =	vadd.s32 $0xFFFF3D00, v7;
	v11 =	vld [tilespmem:s23+$0x1A7A0]  }
0x15d: {  	vm7 =	vgt.s32 v8, $0xC2FF;
	v8 =	vadd.s32 $0xFFFF3D00, v8;
	v12 =	vld [tilespmem:s23+$0x1A7B0]  }
0x15e: {  	vm8 =	vgt.s32 v9, $0xC2FF;
	v9 =	vadd.s32 $0xFFFF3D00, v9;
	v13 =	vld [tilespmem:s23+$0x1A7C0]  }
0x15f: {  	vm9 =	vgt.s32 v10, $0xC2FF;
	v10 =	vadd.s32 $0xFFFF3D00, v10;
	v14 =	vld [tilespmem:s23+$0x1A7D0]  }
0x160: {  	v15 =	vld [tilespmem:s23+$0x1A7E0]  }
0x161: {  	v0 =	vnsel vm11, $0x0, v0;
	v1 =	vld.idx.msk [tilespmem:v1+s13+$0x0], vm0;
	vm10 =	vgt.s32 v11, $0xC2FF;
	v11 =	vadd.s32 $0xFFFF3D00, v11  }
0x162: {  	vm11 =	vgt.s32 v12, $0xC2FF;
	v12 =	vadd.s32 $0xFFFF3D00, v12;
	[tilespmem:s23+$0x1C7F0] =	vst.add.f32.msk $0xffff, v0  }
0x163: {  	v0 =	vld.idx.msk [tilespmem:v2+s13+$0x0], vm1;
	vm12 =	vgt.s32 v13, $0xC2FF;
	v2 =	vadd.s32 $0xFFFF3D00, v13  }
0x164: {  	v3 =	vld.idx.msk [tilespmem:v3+s13+$0x0], vm2;
	vm13 =	vgt.s32 v14, $0xC2FF;
	v13 =	vadd.s32 $0xFFFF3D00, v14  }
0x165: {  	v4 =	vld.idx.msk [tilespmem:v4+s13+$0x0], vm3;
	vm14 =	vgt.s32 v15, $0xC2FF;
	v14 =	vadd.s32 $0xFFFF3D00, v15  }
0x166: {  	v5 =	vld.idx.msk [tilespmem:v5+s13+$0x0], vm4  }
0x167: {  	v1 =	vnsel vm0, $0x0, v1;
	v6 =	vld.idx.msk [tilespmem:v6+s13+$0x0], vm5  }
0x168: {  	v7 =	vld.idx.msk [tilespmem:v7+s13+$0x0], vm6  }
0x169: {  	v0 =	vnsel vm1, $0x0, v0;
	v8 =	vld.idx.msk [tilespmem:v8+s13+$0x0], vm7  }
0x16a: {  	v3 =	vnsel vm2, $0x0, v3;
	v9 =	vld.idx.msk [tilespmem:v9+s13+$0x0], vm8  }
0x16b: {  	v4 =	vnsel vm3, $0x0, v4;
	v10 =	vld.idx.msk [tilespmem:v10+s13+$0x0], vm9  }
0x16c: {  	v5 =	vnsel vm4, $0x0, v5;
	v11 =	vld.idx.msk [tilespmem:v11+s13+$0x0], vm10  }
0x16d: {  	v6 =	vnsel vm5, $0x0, v6;
	v12 =	vld.idx.msk [tilespmem:v12+s13+$0x0], vm11  }
0x16e: {  	v7 =	vnsel vm6, $0x0, v7;
	v2 =	vld.idx.msk [tilespmem:v2+s13+$0x0], vm12  }
0x16f: {  	v8 =	vnsel vm7, $0x0, v8;
	v13 =	vld.idx.msk [tilespmem:v13+s13+$0x0], vm13  }
0x170: {  	v9 =	vnsel vm8, $0x0, v9;
	v14 =	vld.idx.msk [tilespmem:v14+s13+$0x0], vm14  }
0x171: {  	[tilespmem:s23+$0x1C700] =	vst.add.f32.msk $0xffff, v1;
	v1 =	vnsel vm9, $0x0, v10  }
0x172: {  	v10 =	vnsel vm10, $0x0, v11;
	[tilespmem:s23+$0x1C710] =	vst.add.f32.msk $0xffff, v0  }
0x173: {  	[tilespmem:s23+$0x1C720] =	vst.add.f32.msk $0xffff, v3;
	v3 =	vnsel vm11, $0x0, v12  }
0x174: {  	v2 =	vnsel vm12, $0x0, v2;
	[tilespmem:s23+$0x1C730] =	vst.add.f32.msk $0xffff, v4  }
0x175: {  	v4 =	vnsel vm13, $0x0, v13;
	[tilespmem:s23+$0x1C740] =	vst.add.f32.msk $0xffff, v5  }
0x176: {  	v0 =	vnsel vm14, $0x0, v14;
	[tilespmem:s23+$0x1C750] =	vst.add.f32.msk $0xffff, v6  }
0x177: {  	[tilespmem:s23+$0x1C760] =	vst.add.f32.msk $0xffff, v7  }
0x178: {  	[tilespmem:s23+$0x1C770] =	vst.add.f32.msk $0xffff, v8  }
0x179: {  	[tilespmem:s23+$0x1C780] =	vst.add.f32.msk $0xffff, v9  }
.Ltmp5:
0x17a: {  	[tilespmem:s23+$0x1C790] =	vst.add.f32.msk $0xffff, v1;
	(pc) =	sbr.rel @p1 .LBB2_9-.Ltmp5, $4  }
0x17b: {  	[tilespmem:s23+$0x1C7A0] =	vst.add.f32.msk $0xffff, v10  }
0x17c: {  	[tilespmem:s23+$0x1C7B0] =	vst.add.f32.msk $0xffff, v3  }
0x17d: {  	[tilespmem:s23+$0x1C7C0] =	vst.add.f32.msk $0xffff, v2  }
0x17e: {  	s25 =	sadd.s32 $0x400, s25;
	[tilespmem:s23+$0x1C7D0] =	vst.add.f32.msk $0xffff, v4  }
.Ltmp6:
0x17f: {  	[tilespmem:s23+$0x1C7E0] =	vst.add.f32.msk $0xffff, v0;
	s22 =	sadd.s32 s22, s9;
	(pc) =	sbr.rel @p0 .LBB2_12-.Ltmp6, $4  }
0x180: {  	[hbm4b:s22+s11] =	stream.strided.scatter [tilespmem:s18], [sflag:$0x3], $0x2000, s12, s11, $0x38;
	[tilespmem:$0x1E700] =	vst v63  }
0x181: {  	_ =	swait.ge [sflag:s15], $0x2000  }
0x182: {  	[sflag:s15] =	ssyncset.done $0x0  }
0x183: {  	[sflag:s15] =	ssyncadd.s32 $0xFFFFE000  }
0x184: {  	s21 =	sadd.s32 $0x1, s21  }
0x185: {  	s22 =	sshrl.u32 s21, $0x3  }
0x186: {  	s21 =	sshll.u32 s21, $0x7;
	s22 =	smul.u32 $0xC3800, s22  }
0x187: {  	s21 =	sand.u32 $0x380, s21  }
.Ltmp7:
0x188: {  	s21 =	sor.u32 s21, s22;
	(pc) =	sbr.rel .LBB2_2-.Ltmp7, $4  }
0x189: {  	s21 =	sadd.s32 $0x61800, s21  }
0x18a: {  	s21 =	sshrl.u32 s21, $0x3  }
0x18b: {  	s20 =	sadd.s32 $0x1, s20;
	s21 =	sadd.s32 s2, s21  }
0x18c: {  	[tilespmem:s13], [sflag:$0x2] =	stream.strided.gather [hbm4b:s21+s11], $0xC400, s12, s11, $0x38;
	[tilespmem:$0x1E700] =	vst v63  }
.LBB2_13:
0x18d: {  	_ =	sfence.sel $0x180000  }
0x18e: {  	[bflag:$0x0] =	sbarrier.arrive $0xFFFF  }
0x18f: {  	p0 =	sne.s32 s0, $0x0;
	_ =	strace $0x90000047  }
0x190: {  	s0 =	sadd.s32 @!p0 $0x100000, s1;
	[bflag:$0x2] =	sbarrier.arrive $0xFFFF  }
0x191: {  	[sflag:s0] =	ssyncadd.tile.s32 @!p0 $0x1;
	_ =	shalt  }
.Lfunc_end2:
_tile_overlayer_lowered:
.L_overlay_start_2:
0x192: {  	(tag) =	ssettag $0x2  }
0x193: {  	s0 =	rddreg [dreg:$0x0];
	s2 =	stileid.u32  }
0x194: {  	s1 =	rddreg [dreg:$0x1];
	p0 =	sne.s32 s2, $0x0  }
0x195: {  	s3 =	rddreg [dreg:$0x2];
	[bflag:$0x3] =	sbarrier.arrive $0xFFFF;
	s2 =	simm.s32 @!p0 $0x1C03  }
0x196: {  	[timem:s3], [sflag:s2] =	dma.local @!p0 [hbm:s0], s1  }
0x197: {  	s0 =	simm.s32 @!p0 $0x3  }
0x198: {  	_ =	swait.ge @!p0 [sflag:s0], s1  }
0x199: {  	s1 =	ssub.s32 @!p0 $0x0, s1;
	[sflag:s0] =	ssyncset.done @!p0 $0x0  }
0x19a: {  	[sflag:s0] =	ssyncadd.s32 @!p0 s1  }
0x19b: {  	[bflag:$0x3] =	sbarrier.arrive $0xFFFF  }
0x19c: {  	_ =	shalt  }

</sc_bundles>
